<compile_context>
chip_gen: v7x
topology: tpu7x:2x2x1
jax: 0.10.2.dev20260603
libtpu: 0.0.44.dev20260713+nightly
codegen_flags: <defaults>
</compile_context>

<pallas_src>
import dataclasses
import functools

import jax
import jax.numpy as jnp
import numpy as np
from jax.experimental import pallas as pl
from jax.experimental.pallas import tpu as pltpu
from jax.experimental.pallas import tpu_sc as plsc

_Q8 = np.array([
    -2.418, -2.154, -1.987, -1.863, -1.762, -1.676, -1.601, -1.534,
    -1.473, -1.418, -1.366, -1.318, -1.273, -1.23, -1.189, -1.15,
    -1.113, -1.078, -1.043, -1.01, -0.978, -0.947, -0.917, -0.887,
    -0.858, -0.831, -0.803, -0.776, -0.75, -0.725, -0.699, -0.674,
    -0.65, -0.626, -0.602, -0.579, -0.556, -0.533, -0.511, -0.489,
    -0.467, -0.445, -0.424, -0.402, -0.381, -0.36, -0.339, -0.319,
    -0.298, -0.278, -0.257, -0.237, -0.217, -0.197, -0.177, -0.157,
    -0.138, -0.118, -0.098, -0.078, -0.059, -0.039, -0.02, 0.0,
    0.019, 0.039, 0.058, 0.077, 0.097, 0.116, 0.135, 0.155,
    0.174, 0.194, 0.214, 0.233, 0.253, 0.273, 0.293, 0.314,
    0.334, 0.354, 0.375, 0.396, 0.417, 0.438, 0.459, 0.481,
    0.502, 0.524, 0.547, 0.569, 0.592, 0.615, 0.639, 0.662,
    0.687, 0.711, 0.736, 0.762, 0.788, 0.814, 0.842, 0.869,
    0.898, 0.927, 0.957, 0.988, 1.02, 1.053, 1.087, 1.123,
    1.16, 1.198, 1.239, 1.282, 1.327, 1.375, 1.426, 1.482,
    1.542, 1.609, 1.683, 1.769, 1.87, 1.994, 2.16, 2.423,
], dtype=np.float32)
_QS = np.sort(_Q8)
_EDGES = ((_QS[1:] + _QS[:-1]) * 0.5).astype(np.float32)

_W = 32768
_LO = -2.35
_HI = 2.35
_CW = (_HI - _LO) / _W
_CENTERS = (_LO + (np.arange(_W) + 0.5) * _CW).astype(np.float32)
_QTAB_NORM = _QS[np.searchsorted(_EDGES, _CENTERS, side="left")]

_COLS = 2048
_RED_ROWS = 512
_CHUNK = 16384
_NLANES = 16


_TC_ROWS = 9216


def _red_body(x_ref, par_ref, s_ref, q_ref):
    i = pl.program_id(0)
    g = pl.num_programs(0)
    xb = x_ref[...]
    ps = jnp.sum(xb, axis=0, keepdims=True)
    pq = jnp.sum(xb * xb, axis=0, keepdims=True)

    @pl.when(i == 0)
    def _():
        s_ref[...] = ps
        q_ref[...] = pq

    @pl.when(i != 0)
    def _():
        s_ref[...] = s_ref[...] + ps
        q_ref[...] = q_ref[...] + pq

    @pl.when(i == g - 1)
    def _():
        s1 = jnp.sum(s_ref[...])
        s2 = jnp.sum(q_ref[...])
        r = jax.lax.broadcasted_iota(jnp.int32, (8, 128), 0)
        par_ref[...] = jnp.where(r == 0, s1, jnp.where(r == 1, s2, 0.0))


def _moments_tc(x2d):
    g = _TC_ROWS // _RED_ROWS
    return pl.pallas_call(
        _red_body,
        grid=(g,),
        in_specs=[pl.BlockSpec((_RED_ROWS, _COLS), lambda i: (i, 0))],
        out_specs=pl.BlockSpec((8, 128), lambda i: (0, 0)),
        out_shape=jax.ShapeDtypeStruct((8, 128), jnp.float32),
        scratch_shapes=[pltpu.VMEM((1, _COLS), jnp.float32),
                        pltpu.VMEM((1, _COLS), jnp.float32)],
    )(x2d)


def _moments_sc(x2d):
    nrows = x2d.shape[0] - _TC_ROWS
    nchunks = nrows // _BROWS
    base_chunk = _TC_ROWS // _BROWS
    mesh = plsc.VectorSubcoreMesh(core_axis_name="core",
                                  subcore_axis_name="subcore")
    cp = pltpu.CompilerParams()
    if "needs_layout_passes" in pltpu.CompilerParams.__dataclass_fields__:
        cp = dataclasses.replace(cp, needs_layout_passes=False)
    nvec = _COLS // _NLANES

    @functools.partial(
        pl.kernel,
        out_type=jax.ShapeDtypeStruct((32, 2, _NLANES), jnp.float32),
        mesh=mesh,
        compiler_params=cp,
        scratch_types=[pltpu.VMEM((2, _NLANES), jnp.float32)],
    )
    def _k(x_hbm, o_hbm, acc_v):
        zero = jnp.zeros((_NLANES,), jnp.float32)
        acc_v[0, pl.ds(0, _NLANES)] = zero
        acc_v[1, pl.ds(0, _NLANES)] = zero

        def body(in_v):
            z = jnp.zeros((_NLANES,), jnp.float32)

            @plsc.parallel_loop(0, _BROWS * nvec, step=4, unroll=2,
                                carry=(z, z, z, z, z, z, z, z))
            def loop(i, carry):
                s0, q0, s1, q1, s2, q2, s3, q3 = carry
                accs = [s0, s1, s2, s3]
                accq = [q0, q1, q2, q3]
                for u in range(4):
                    v = i + u
                    r = v // nvec
                    c = (v % nvec) * _NLANES
                    xv = in_v[r, pl.ds(c, _NLANES)]
                    accs[u] = accs[u] + xv
                    accq[u] = accq[u] + xv * xv
                return (accs[0], accq[0], accs[1], accq[1],
                        accs[2], accq[2], accs[3], accq[3])

            s0, q0, s1, q1, s2, q2, s3, q3 = loop
            acc_v[0, pl.ds(0, _NLANES)] = (
                acc_v[0, pl.ds(0, _NLANES)] + ((s0 + s1) + (s2 + s3)))
            acc_v[1, pl.ds(0, _NLANES)] = (
                acc_v[1, pl.ds(0, _NLANES)] + ((q0 + q1) + (q2 + q3)))

        pltpu.emit_pipeline(
            body,
            grid=(nchunks,),
            in_specs=[pl.BlockSpec((_BROWS, _COLS),
                                   lambda i: (i + base_chunk, 0))],
            out_specs=[],
            core_axis_name=("core", "subcore"),
            dimension_semantics=(pltpu.PARALLEL,),
        )(x_hbm)

        wid = jax.lax.axis_index("subcore") * 2 + jax.lax.axis_index("core")
        pltpu.sync_copy(acc_v, o_hbm.at[wid])

    return _k(x2d)


_BROWS = 8


def _sc_quantize(x2d, qnorm, params):
    nrows = x2d.shape[0]
    nchunks = nrows // _BROWS
    mesh = plsc.VectorSubcoreMesh(core_axis_name="core",
                                  subcore_axis_name="subcore")
    cp = pltpu.CompilerParams()
    if "needs_layout_passes" in pltpu.CompilerParams.__dataclass_fields__:
        cp = dataclasses.replace(cp, needs_layout_passes=False)

    @functools.partial(
        pl.kernel,
        out_type=jax.ShapeDtypeStruct((nrows, _COLS), jnp.float32),
        mesh=mesh,
        compiler_params=cp,
        scratch_types=[
            pltpu.VMEM((_W,), jnp.float32),
            pltpu.VMEM((8, 128), jnp.float32),
        ],
    )
    def _k(x_hbm, qn_hbm, par_hbm, o_hbm, tab_v, par_v):
        pltpu.sync_copy(qn_hbm, tab_v)
        pltpu.sync_copy(par_hbm, par_v)
        a = par_v[0, pl.ds(0, _NLANES)]
        b = par_v[1, pl.ds(0, _NLANES)]
        s = par_v[2, pl.ds(0, _NLANES)]
        m = par_v[3, pl.ds(0, _NLANES)]

        @plsc.parallel_loop(0, _W, step=_NLANES, unroll=8)
        def _(c0):
            sl = pl.ds(c0, _NLANES)
            tab_v[sl] = tab_v[sl] * s + m

        nvec = _COLS // _NLANES

        def body(in_v, out_v):
            @plsc.parallel_loop(0, _BROWS * nvec, step=1, unroll=8)
            def _(i):
                r = i // nvec
                c = (i % nvec) * _NLANES
                sl = pl.ds(c, _NLANES)
                xv = in_v[r, sl]
                cf = xv * a + b
                cf = jnp.minimum(jnp.maximum(cf, 0.0), float(_W - 1))
                ci = cf.astype(jnp.int32)
                out_v[r, sl] = plsc.load_gather(tab_v, [ci])

        pltpu.emit_pipeline(
            body,
            grid=(nchunks,),
            in_specs=[pl.BlockSpec((_BROWS, _COLS), lambda i: (i, 0))],
            out_specs=[pl.BlockSpec((_BROWS, _COLS), lambda i: (i, 0))],
            core_axis_name=("core", "subcore"),
            dimension_semantics=(pltpu.PARALLEL,),
        )(x_hbm, o_hbm)

    return _k(x2d, qnorm, params)


def kernel(x):
    n = x.size
    x2d = x.reshape(-1, _COLS)
    tc_par = _moments_tc(x2d)
    sc_par = _moments_sc(x2d)
    s1 = tc_par[0, 0] + jnp.sum(sc_par[:, 0, :])
    s2 = tc_par[1, 0] + jnp.sum(sc_par[:, 1, :])
    nf = jnp.float32(n)
    m = s1 / nf
    var = jnp.maximum(s2 / nf - m * m, 0.0)
    s = jnp.sqrt(var)
    s_safe = jnp.where(s == 0.0, jnp.float32(1.0), s)
    a = 1.0 / (s_safe * _CW)
    b = -(m / s_safe + _LO) / _CW
    r = jax.lax.broadcasted_iota(jnp.int32, (8, 128), 0)
    params = jnp.where(r == 0, a,
                       jnp.where(r == 1, b, jnp.where(r == 2, s, m)))
    y = _sc_quantize(x2d, jnp.asarray(_QTAB_NORM), params)
    return y.reshape(x.shape)

# --- scband reference (transcript-rebuilt; emitter-appended) ---
"""Pipeline reference for scband-block-quantizer-77773267796107 (READ-ONLY COPY).

The authoritative reference and input builder live on the scoring server;
editing this copy changes nothing except your own understanding.
"""

import jax, jax.numpy as jnp
import numpy as np

_Q8 = jnp.array([-2.418, -2.154, -1.987, -1.863, -1.762, -1.676, -1.601, -1.534, -1.473, -1.418, -1.366, -1.318, -1.273, -1.23, -1.189, -1.15, -1.113, -1.078, -1.043, -1.01, -0.978, -0.947, -0.917, -0.887, -0.858, -0.831, -0.803, -0.776, -0.75, -0.725, -0.699, -0.674, -0.65, -0.626, -0.602, -0.579, -0.556, -0.533, -0.511, -0.489, -0.467, -0.445, -0.424, -0.402, -0.381, -0.36, -0.339, -0.319, -0.298, -0.278, -0.257, -0.237, -0.217, -0.197, -0.177, -0.157, -0.138, -0.118, -0.098, -0.078, -0.059, -0.039, -0.02, 0.0, 0.019, 0.039, 0.058, 0.077, 0.097, 0.116, 0.135, 0.155, 0.174, 0.194, 0.214, 0.233, 0.253, 0.273, 0.293, 0.314, 0.334, 0.354, 0.375, 0.396, 0.417, 0.438, 0.459, 0.481, 0.502, 0.524, 0.547, 0.569, 0.592, 0.615, 0.639, 0.662, 0.687, 0.711, 0.736, 0.762, 0.788, 0.814, 0.842, 0.869, 0.898, 0.927, 0.957, 0.988, 1.02, 1.053, 1.087, 1.123, 1.16, 1.198, 1.239, 1.282, 1.327, 1.375, 1.426, 1.482, 1.542, 1.609, 1.683, 1.769, 1.87, 1.994, 2.16, 2.423], dtype=jnp.float32)
_Q_SORTED = jnp.sort(_Q8)
_EDGES = 0.5 * (_Q_SORTED[1:] + _Q_SORTED[:-1])


def _danuq_quantize(x):
    # small_block='None' -> dim_threshold=4; x.ndim=3 <= 4 -> global blockwise quantize
    m = jnp.mean(x)
    s = jnp.sqrt(jnp.mean((x - m) ** 2))  # unbiased=False std
    s_safe = jnp.where(s == 0, jnp.ones_like(s), s)
    x_normed = (x - m) / s_safe
    # torch.bucketize(..., right=False) == searchsorted side='left'
    idx = jnp.searchsorted(_EDGES, x_normed, side='left')
    q_normed = jnp.take(_Q_SORTED, idx)
    deq = q_normed * s + m
    return jnp.where(s == 0, x, deq)


def setup_inputs(seed: int = 0) -> dict:
    key = jax.random.key(seed)
    x = jax.random.normal(key, (4, 4096, 2048), dtype=jnp.float32)
    return {"x": x}


def reference(x):
    q = _danuq_quantize(x)
    # straight-through estimator: out value equals q, gradient is identity
    return x + jax.lax.stop_gradient(q - x)

if __name__ == "__main__":
    import jax
    _d = setup_inputs()
    print(jax.jit(kernel)(*tuple(_d.values())))

</pallas_src>

<mosaic_0001>
#map = affine_map<(d0, d1) -> (0, 0)>
#map1 = affine_map<(d0, d1) -> (0)>
module attributes {stable_mosaic.version = 14 : i64} {
  func.func @_k(%arg0: i32, %arg1: i32, %arg2: memref<16384x2048xf32, #tpu.memory_space<hbm>>, %arg3: memref<32768xf32, #tpu.memory_space<hbm>>, %arg4: memref<8x128xf32, #tpu.memory_space<hbm>>, %arg5: memref<16384x2048xf32, #tpu.memory_space<hbm>>, %arg6: memref<32768xf32, #tpu.memory_space<vmem>>, %arg7: memref<8x128xf32, #tpu.memory_space<vmem>>) attributes {dimension_semantics = [#tpu.dimension_semantics<core_parallel>, #tpu.dimension_semantics<subcore_parallel>], iteration_bounds = array<i64: 2, 16>, scalar_prefetch = 0 : i64, scratch_operands = 2 : i64, tpu.core_type = #tpu.core_type<sc_vector_subcore>, window_params = [{transform_indices = #map}, {transform_indices = #map1}, {transform_indices = #map}, {transform_indices = #map}]} {
    "tpu.region"() ({
      %run_scoped3A = tpu.sem_alloc : memref<!tpu.dma_semaphore, #tpu.memory_space<semaphore_mem>>
      tpu.enqueue_dma source(%arg3 : memref<32768xf32, #tpu.memory_space<hbm>>) target(%arg6 : memref<32768xf32, #tpu.memory_space<vmem>>) target_semaphore(%run_scoped3A : memref<!tpu.dma_semaphore, #tpu.memory_space<semaphore_mem>>)
      tpu.wait_dma2 semaphore(%run_scoped3A : memref<!tpu.dma_semaphore, #tpu.memory_space<semaphore_mem>>) src(%arg3 : memref<32768xf32, #tpu.memory_space<hbm>>) dst(%arg6 : memref<32768xf32, #tpu.memory_space<vmem>>)
      tpu.yield
    }) : () -> ()
    "tpu.region"() ({
      %run_scoped3A = tpu.sem_alloc : memref<!tpu.dma_semaphore, #tpu.memory_space<semaphore_mem>>
      tpu.enqueue_dma source(%arg4 : memref<8x128xf32, #tpu.memory_space<hbm>>) target(%arg7 : memref<8x128xf32, #tpu.memory_space<vmem>>) target_semaphore(%run_scoped3A : memref<!tpu.dma_semaphore, #tpu.memory_space<semaphore_mem>>)
      tpu.wait_dma2 semaphore(%run_scoped3A : memref<!tpu.dma_semaphore, #tpu.memory_space<semaphore_mem>>) src(%arg4 : memref<8x128xf32, #tpu.memory_space<hbm>>) dst(%arg7 : memref<8x128xf32, #tpu.memory_space<vmem>>)
      tpu.yield
    }) : () -> ()
    %get3A = arith.constant 0 : i32
    %get3A_0 = arith.index_cast %get3A : i32 to index
    %get3A_1 = arith.constant 0 : index
    %get3A_2 = tpu.vector_load %arg7[%get3A_0, %get3A_1] {strides = array<i32>} : memref<8x128xf32, #tpu.memory_space<vmem>>, vector<16xf32>,
    %get3A_3 = arith.constant 1 : i32
    %get3A_4 = arith.index_cast %get3A_3 : i32 to index
    %get3A_5 = arith.constant 0 : index
    %get3A_6 = tpu.vector_load %arg7[%get3A_4, %get3A_5] {strides = array<i32>} : memref<8x128xf32, #tpu.memory_space<vmem>>, vector<16xf32>,
    %get3A_7 = arith.constant 2 : i32
    %get3A_8 = arith.index_cast %get3A_7 : i32 to index
    %get3A_9 = arith.constant 0 : index
    %get3A_10 = tpu.vector_load %arg7[%get3A_8, %get3A_9] {strides = array<i32>} : memref<8x128xf32, #tpu.memory_space<vmem>>, vector<16xf32>,
    %get3A_11 = arith.constant 3 : i32
    %get3A_12 = arith.index_cast %get3A_11 : i32 to index
    %get3A_13 = arith.constant 0 : index
    %get3A_14 = tpu.vector_load %arg7[%get3A_12, %get3A_13] {strides = array<i32>} : memref<8x128xf32, #tpu.memory_space<vmem>>, vector<16xf32>,
    %parallel_loop3A = arith.constant 0 : i32
    %parallel_loop3A_15 = arith.constant 32768 : i32
    %parallel_loop3A_16 = arith.constant 16 : i32
    scf.for %parallel_loop3A_24 = %parallel_loop3A to %parallel_loop3A_15 step %parallel_loop3A_16  : i32 {
      %parallel_loop3A_25 = arith.index_cast %parallel_loop3A_24 : i32 to index
      %parallel_loop3A_26 = tpu.vector_load %arg6[%parallel_loop3A_25] {strides = array<i32>} : memref<32768xf32, #tpu.memory_space<vmem>>, vector<16xf32>,
      %parallel_loop3A_27 = arith.mulf %parallel_loop3A_26, %get3A_10 : vector<16xf32>
      %parallel_loop3A_28 = arith.addf %parallel_loop3A_27, %get3A_14 : vector<16xf32>
      %parallel_loop3A_29 = arith.index_cast %parallel_loop3A_24 : i32 to index
      %parallel_loop3A_30 = tpu.vector_load %arg6[%parallel_loop3A_29] {strides = array<i32>} : memref<32768xf32, #tpu.memory_space<vmem>>, vector<16xf32>,
      tpu.vector_store %arg6[%parallel_loop3A_29], %parallel_loop3A_28 {strides = array<i32>} : memref<32768xf32, #tpu.memory_space<vmem>>, vector<16xf32>,
    } {sc.loop_unroll_factor = 8 : i64, sc.parallel_access}
    %mul3A = arith.constant 1 : i32
    %mul3A_17 = arith.muli %arg1, %mul3A : i32
    %add3A = arith.constant 0 : i32
    %add3A_18 = arith.addi %add3A, %mul3A_17 : i32
    %mul3A_19 = arith.constant 16 : i32
    %mul3A_20 = arith.muli %arg0, %mul3A_19 : i32
    %add3A_21 = arith.addi %add3A_18, %mul3A_20 : i32
    %mul3A_22 = arith.constant 64 : i32
    %mul3A_23 = arith.muli %add3A_21, %mul3A_22 : i32
    "tpu.region"() ({
      %run_scoped3A = memref.alloca() : memref<2x8x2048xf32, #tpu.memory_space<vmem>>
      %run_scoped3A_24 = tpu.sem_alloc : memref<2x!tpu.dma_semaphore, #tpu.memory_space<semaphore_mem>>
      %run_scoped3A_25 = memref.alloca() : memref<2x8x2048xf32, #tpu.memory_space<vmem>>
      %run_scoped3A_26 = tpu.sem_alloc : memref<2x!tpu.dma_semaphore, #tpu.memory_space<semaphore_mem>>
      %add3A_27 = arith.constant 0 : i32
      %add3A_28 = arith.addi %add3A_27, %mul3A_23 : i32
      %select_n3A = arith.constant true
      %select_n3A_29 = arith.constant 0 : i32
      %select_n3A_30 = arith.constant -1 : i32
      %select_n3A_31 = arith.select %select_n3A, %select_n3A_30, %select_n3A_29 : i32
      %eq3A = arith.constant -1 : i32
      %eq3A_32 = arith.cmpi eq, %select_n3A_31, %eq3A : i32
      %select_n3A_33 = arith.constant 63 : i32
      %select_n3A_34 = arith.select %eq3A_32, %select_n3A_33, %select_n3A_31 : i32
      %add3A_35 = arith.addi %select_n3A_34, %mul3A_23 : i32
      %select_n3A_36 = arith.constant true
      %select_n3A_37 = arith.constant 0 : i32
      %select_n3A_38 = arith.constant 1 : i32
      %select_n3A_39 = arith.select %select_n3A_36, %select_n3A_38, %select_n3A_37 : i32
      %eq3A_40 = arith.constant 64 : i32
      %eq3A_41 = arith.cmpi eq, %select_n3A_39, %eq3A_40 : i32
      %select_n3A_42 = arith.constant 0 : i32
      %select_n3A_43 = arith.select %eq3A_41, %select_n3A_42, %select_n3A_39 : i32
      %add3A_44 = arith.addi %select_n3A_43, %mul3A_23 : i32
      %add3A_45 = arith.constant 1 : i32
      %add3A_46 = arith.addi %select_n3A_43, %add3A_45 : i32
      %select_n3A_47 = arith.constant true
      %select_n3A_48 = arith.select %select_n3A_47, %add3A_46, %select_n3A_43 : i32
      %eq3A_49 = arith.constant 64 : i32
      %eq3A_50 = arith.cmpi eq, %select_n3A_48, %eq3A_49 : i32
      %select_n3A_51 = arith.constant 0 : i32
      %select_n3A_52 = arith.select %eq3A_50, %select_n3A_51, %select_n3A_48 : i32
      %add3A_53 = arith.addi %select_n3A_52, %mul3A_23 : i32
      "tpu.trace_start"() <{level = 10 : i32, message = "ep_initialize_0"}> : () -> ()
      %rem3A = arith.constant 0 : i32
      %rem3A_54 = arith.constant 2 : i32
      %rem3A_55 = arith.remui %rem3A, %rem3A_54 : i32
      %mul3A_56 = arith.constant 8 : i32
      %mul3A_57 = arith.muli %mul3A_56, %add3A_28 : i32
      %dma_start3A = arith.constant 0 : i32
      %dma_start3A_58 = arith.constant 0 : i32
      %dma_start3A_59 = tpu.memref_slice %run_scoped3A[%rem3A_55, %dma_start3A, %dma_start3A_58] : memref<2x8x2048xf32, #tpu.memory_space<vmem>> -> memref<1x8x2048xf32, #tpu.memory_space<vmem>>
      %dma_start3A_60 = tpu.memref_squeeze %dma_start3A_59 : memref<1x8x2048xf32, #tpu.memory_space<vmem>> -> memref<8x2048xf32, #tpu.memory_space<vmem>>
      %dma_start3A_61 = arith.constant 0 : i32
      %dma_start3A_62 = tpu.memref_slice %arg2[%mul3A_57, %dma_start3A_61] : memref<16384x2048xf32, #tpu.memory_space<hbm>> -> memref<8x2048xf32, #tpu.memory_space<hbm>>
      %dma_start3A_63 = tpu.memref_slice %run_scoped3A_24[%rem3A_55] : memref<2x!tpu.dma_semaphore, #tpu.memory_space<semaphore_mem>> -> memref<1x!tpu.dma_semaphore, #tpu.memory_space<semaphore_mem>>
      %dma_start3A_64 = tpu.memref_squeeze %dma_start3A_63 : memref<1x!tpu.dma_semaphore, #tpu.memory_space<semaphore_mem>> -> memref<!tpu.dma_semaphore, #tpu.memory_space<semaphore_mem>>
      %dma_start3A_65 = arith.constant 0 : i32
      %dma_start3A_66 = arith.constant 0 : i32
      %dma_start3A_67 = tpu.memref_slice %run_scoped3A[%rem3A_55, %dma_start3A_65, %dma_start3A_66] : memref<2x8x2048xf32, #tpu.memory_space<vmem>> -> memref<1x8x2048xf32, #tpu.memory_space<vmem>>
      %dma_start3A_68 = tpu.memref_squeeze %dma_start3A_67 : memref<1x8x2048xf32, #tpu.memory_space<vmem>> -> memref<8x2048xf32, #tpu.memory_space<vmem>>
      %dma_start3A_69 = arith.constant 0 : i32
      %dma_start3A_70 = tpu.memref_slice %arg2[%mul3A_57, %dma_start3A_69] : memref<16384x2048xf32, #tpu.memory_space<hbm>> -> memref<8x2048xf32, #tpu.memory_space<hbm>>
      tpu.enqueue_dma source(%dma_start3A_70 : memref<8x2048xf32, #tpu.memory_space<hbm>>) target(%dma_start3A_68 : memref<8x2048xf32, #tpu.memory_space<vmem>>) target_semaphore(%dma_start3A_64 : memref<!tpu.dma_semaphore, #tpu.memory_space<semaphore_mem>>)
      %add3A_71 = arith.constant 0 : i32
      %add3A_72 = arith.constant 1 : i32
      %add3A_73 = arith.addi %add3A_71, %add3A_72 : i32
      %select_n3A_74 = arith.constant true
      %select_n3A_75 = arith.constant 0 : i32
      %select_n3A_76 = arith.select %select_n3A_74, %add3A_73, %select_n3A_75 : i32
      "tpu.trace_stop"() : () -> ()
      %scan3A = arith.constant 0 : i32
      %scan3A_77 = arith.constant 0 : i32
      %scan3A_78 = arith.constant 0 : i32
      %scan3A_79 = arith.constant 0 : i32
      %scan3A_80 = arith.constant 0 : i32
      %scan3A_81 = arith.constant 64 : i32
      %scan3A_82 = arith.addi %scan3A_80, %scan3A_81 : i32
      %scan3A_83 = arith.constant 1 : i32
      %scan3A_84:5 = scf.for %scan3A_138 = %scan3A_80 to %scan3A_82 step %scan3A_83 iter_args(%scan3A_139 = %select_n3A_76, %scan3A_140 = %scan3A, %scan3A_141 = %scan3A_77, %scan3A_142 = %scan3A_78, %scan3A_143 = %scan3A_79) -> (i32, i32, i32, i32, i32)  : i32 {
        %eq3A_144 = arith.constant 0 : i32
        %eq3A_145 = arith.cmpi eq, %scan3A_138, %eq3A_144 : i32
        %eq3A_146 = arith.constant 63 : i32
        %eq3A_147 = arith.cmpi eq, %scan3A_138, %eq3A_146 : i32
        %add3A_148 = arith.addi %scan3A_143, %mul3A_23 : i32
        %sub3A_149 = arith.constant 1 : i32
        %sub3A_150 = arith.subi %scan3A_143, %sub3A_149 : i32
        %select_n3A_151 = arith.constant true
        %select_n3A_152 = arith.select %select_n3A_151, %sub3A_150, %scan3A_143 : i32
        %eq3A_153 = arith.constant -1 : i32
        %eq3A_154 = arith.cmpi eq, %select_n3A_152, %eq3A_153 : i32
        %select_n3A_155 = arith.constant 63 : i32
        %select_n3A_156 = arith.select %eq3A_154, %select_n3A_155, %select_n3A_152 : i32
        %add3A_157 = arith.addi %select_n3A_156, %mul3A_23 : i32
        %add3A_158 = arith.constant 1 : i32
        %add3A_159 = arith.addi %scan3A_143, %add3A_158 : i32
        %select_n3A_160 = arith.constant true
        %select_n3A_161 = arith.select %select_n3A_160, %add3A_159, %scan3A_143 : i32
        %eq3A_162 = arith.constant 64 : i32
        %eq3A_163 = arith.cmpi eq, %select_n3A_161, %eq3A_162 : i32
        %select_n3A_164 = arith.constant 0 : i32
        %select_n3A_165 = arith.select %eq3A_163, %select_n3A_164, %select_n3A_161 : i32
        %add3A_166 = arith.addi %select_n3A_165, %mul3A_23 : i32
        %add3A_167 = arith.constant 1 : i32
        %add3A_168 = arith.addi %select_n3A_165, %add3A_167 : i32
        %select_n3A_169 = arith.constant true
        %select_n3A_170 = arith.select %select_n3A_169, %add3A_168, %select_n3A_165 : i32
        %eq3A_171 = arith.constant 64 : i32
        %eq3A_172 = arith.cmpi eq, %select_n3A_170, %eq3A_171 : i32
        %select_n3A_173 = arith.constant 0 : i32
        %select_n3A_174 = arith.select %eq3A_172, %select_n3A_173, %select_n3A_170 : i32
        %add3A_175 = arith.addi %select_n3A_174, %mul3A_23 : i32
        %ne3A = arith.cmpi ne, %add3A_148, %add3A_166 : i32
        %or3A = arith.constant false
        %or3A_176 = arith.ori %or3A, %ne3A : i1
        %or3A_177 = arith.constant false
        %or3A_178 = arith.ori %or3A_176, %or3A_177 : i1
        %ge3A = arith.constant 63 : i32
        %ge3A_179 = arith.cmpi sge, %scan3A_138, %ge3A : i32
        %not3A = arith.constant true
        %not3A_180 = arith.xori %ge3A_179, %not3A : i1
        %and3A = arith.andi %or3A_178, %not3A_180 : i1
        %convert_element_type3A = arith.extui %and3A : i1 to i32
        %cond3A = arith.constant 0 : i32
        %cond3A_181 = arith.cmpi ne, %convert_element_type3A, %cond3A : i32
        scf.if %cond3A_181 {
          "tpu.trace_start"() <{level = 10 : i32, message = "ep_copy_in"}> : () -> ()
          %rem3A_293 = arith.constant 2 : i32
          %rem3A_294 = arith.remui %scan3A_139, %rem3A_293 : i32
          %mul3A_295 = arith.constant 8 : i32
          %mul3A_296 = arith.muli %mul3A_295, %add3A_166 : i32
          %dma_start3A_297 = arith.constant 0 : i32
          %dma_start3A_298 = arith.constant 0 : i32
          %dma_start3A_299 = tpu.memref_slice %run_scoped3A[%rem3A_294, %dma_start3A_297, %dma_start3A_298] : memref<2x8x2048xf32, #tpu.memory_space<vmem>> -> memref<1x8x2048xf32, #tpu.memory_space<vmem>>
          %dma_start3A_300 = tpu.memref_squeeze %dma_start3A_299 : memref<1x8x2048xf32, #tpu.memory_space<vmem>> -> memref<8x2048xf32, #tpu.memory_space<vmem>>
          %dma_start3A_301 = arith.constant 0 : i32
          %dma_start3A_302 = tpu.memref_slice %arg2[%mul3A_296, %dma_start3A_301] : memref<16384x2048xf32, #tpu.memory_space<hbm>> -> memref<8x2048xf32, #tpu.memory_space<hbm>>
          %dma_start3A_303 = tpu.memref_slice %run_scoped3A_24[%rem3A_294] : memref<2x!tpu.dma_semaphore, #tpu.memory_space<semaphore_mem>> -> memref<1x!tpu.dma_semaphore, #tpu.memory_space<semaphore_mem>>
          %dma_start3A_304 = tpu.memref_squeeze %dma_start3A_303 : memref<1x!tpu.dma_semaphore, #tpu.memory_space<semaphore_mem>> -> memref<!tpu.dma_semaphore, #tpu.memory_space<semaphore_mem>>
          %dma_start3A_305 = arith.constant 0 : i32
          %dma_start3A_306 = arith.constant 0 : i32
          %dma_start3A_307 = tpu.memref_slice %run_scoped3A[%rem3A_294, %dma_start3A_305, %dma_start3A_306] : memref<2x8x2048xf32, #tpu.memory_space<vmem>> -> memref<1x8x2048xf32, #tpu.memory_space<vmem>>
          %dma_start3A_308 = tpu.memref_squeeze %dma_start3A_307 : memref<1x8x2048xf32, #tpu.memory_space<vmem>> -> memref<8x2048xf32, #tpu.memory_space<vmem>>
          %dma_start3A_309 = arith.constant 0 : i32
          %dma_start3A_310 = tpu.memref_slice %arg2[%mul3A_296, %dma_start3A_309] : memref<16384x2048xf32, #tpu.memory_space<hbm>> -> memref<8x2048xf32, #tpu.memory_space<hbm>>
          tpu.enqueue_dma source(%dma_start3A_310 : memref<8x2048xf32, #tpu.memory_space<hbm>>) target(%dma_start3A_308 : memref<8x2048xf32, #tpu.memory_space<vmem>>) target_semaphore(%dma_start3A_304 : memref<!tpu.dma_semaphore, #tpu.memory_space<semaphore_mem>>)
          "tpu.trace_stop"() : () -> ()
        } else {
        }
        %and3A_182 = arith.constant true
        %and3A_183 = arith.andi %and3A, %and3A_182 : i1
        %add3A_184 = arith.constant 1 : i32
        %add3A_185 = arith.addi %scan3A_139, %add3A_184 : i32
        %select_n3A_186 = arith.select %and3A_183, %add3A_185, %scan3A_139 : i32
        %ne3A_187 = arith.cmpi ne, %add3A_148, %add3A_166 : i32
        %or3A_188 = arith.constant false
        %or3A_189 = arith.ori %or3A_188, %ne3A_187 : i1
        %or3A_190 = arith.constant false
        %or3A_191 = arith.ori %or3A_189, %or3A_190 : i1
        %ge3A_192 = arith.constant 63 : i32
        %ge3A_193 = arith.cmpi sge, %scan3A_138, %ge3A_192 : i32
        %not3A_194 = arith.constant true
        %not3A_195 = arith.xori %ge3A_193, %not3A_194 : i1
        %and3A_196 = arith.andi %or3A_191, %not3A_195 : i1
        %ne3A_197 = arith.cmpi ne, %add3A_148, %add3A_157 : i32
        %or3A_198 = arith.constant false
        %or3A_199 = arith.ori %or3A_198, %ne3A_197 : i1
        %or3A_200 = arith.constant false
        %or3A_201 = arith.ori %or3A_199, %or3A_200 : i1
        %or3A_202 = arith.ori %or3A_201, %eq3A_145 : i1
        %convert_element_type3A_203 = arith.extui %or3A_202 : i1 to i32
        %cond3A_204 = arith.constant 0 : i32
        %cond3A_205 = arith.cmpi ne, %convert_element_type3A_203, %cond3A_204 : i32
        scf.if %cond3A_205 {
          "tpu.trace_start"() <{level = 10 : i32, message = "ep_wait_in"}> : () -> ()
          %mul3A_293 = arith.constant 8 : i32
          %mul3A_294 = arith.muli %mul3A_293, %add3A_148 : i32
          %rem3A_295 = arith.constant 2 : i32
          %rem3A_296 = arith.remui %scan3A_140, %rem3A_295 : i32
          %dma_wait3A_297 = arith.constant 0 : i32
          %dma_wait3A_298 = arith.constant 0 : i32
          %dma_wait3A_299 = tpu.memref_slice %run_scoped3A[%rem3A_296, %dma_wait3A_297, %dma_wait3A_298] : memref<2x8x2048xf32, #tpu.memory_space<vmem>> -> memref<1x8x2048xf32, #tpu.memory_space<vmem>>
          %dma_wait3A_300 = tpu.memref_squeeze %dma_wait3A_299 : memref<1x8x2048xf32, #tpu.memory_space<vmem>> -> memref<8x2048xf32, #tpu.memory_space<vmem>>
          %dma_wait3A_301 = arith.constant 0 : i32
          %dma_wait3A_302 = tpu.memref_slice %arg2[%mul3A_294, %dma_wait3A_301] : memref<16384x2048xf32, #tpu.memory_space<hbm>> -> memref<8x2048xf32, #tpu.memory_space<hbm>>
          %dma_wait3A_303 = tpu.memref_slice %run_scoped3A_24[%rem3A_296] : memref<2x!tpu.dma_semaphore, #tpu.memory_space<semaphore_mem>> -> memref<1x!tpu.dma_semaphore, #tpu.memory_space<semaphore_mem>>
          %dma_wait3A_304 = tpu.memref_squeeze %dma_wait3A_303 : memref<1x!tpu.dma_semaphore, #tpu.memory_space<semaphore_mem>> -> memref<!tpu.dma_semaphore, #tpu.memory_space<semaphore_mem>>
          %dma_wait3A_305 = arith.constant 0 : i32
          %dma_wait3A_306 = arith.constant 0 : i32
          %dma_wait3A_307 = tpu.memref_slice %run_scoped3A[%rem3A_296, %dma_wait3A_305, %dma_wait3A_306] : memref<2x8x2048xf32, #tpu.memory_space<vmem>> -> memref<1x8x2048xf32, #tpu.memory_space<vmem>>
          %dma_wait3A_308 = tpu.memref_squeeze %dma_wait3A_307 : memref<1x8x2048xf32, #tpu.memory_space<vmem>> -> memref<8x2048xf32, #tpu.memory_space<vmem>>
          %dma_wait3A_309 = arith.constant 0 : i32
          %dma_wait3A_310 = tpu.memref_slice %arg2[%mul3A_294, %dma_wait3A_309] : memref<16384x2048xf32, #tpu.memory_space<hbm>> -> memref<8x2048xf32, #tpu.memory_space<hbm>>
          tpu.wait_dma2 semaphore(%dma_wait3A_304 : memref<!tpu.dma_semaphore, #tpu.memory_space<semaphore_mem>>) src(%dma_wait3A_310 : memref<8x2048xf32, #tpu.memory_space<hbm>>) dst(%dma_wait3A_308 : memref<8x2048xf32, #tpu.memory_space<vmem>>)
          "tpu.trace_stop"() : () -> ()
        } else {
        }
        %ne3A_206 = arith.cmpi ne, %add3A_148, %add3A_157 : i32
        %or3A_207 = arith.constant false
        %or3A_208 = arith.ori %or3A_207, %ne3A_206 : i1
        %or3A_209 = arith.constant false
        %or3A_210 = arith.ori %or3A_208, %or3A_209 : i1
        %or3A_211 = arith.ori %or3A_210, %eq3A_145 : i1
        %convert_element_type3A_212 = arith.extui %or3A_211 : i1 to i32
        %cond3A_213 = arith.constant 0 : i32
        %cond3A_214 = arith.cmpi ne, %convert_element_type3A_212, %cond3A_213 : i32
        scf.if %cond3A_214 {
        } else {
        }
        %rem3A_215 = arith.constant 2 : i32
        %rem3A_216 = arith.remui %scan3A_140, %rem3A_215 : i32
        %rem3A_217 = arith.constant 2 : i32
        %rem3A_218 = arith.remui %scan3A_141, %rem3A_217 : i32
        %parallel_loop3A_219 = arith.constant 0 : i32
        %parallel_loop3A_220 = arith.constant 1024 : i32
        %parallel_loop3A_221 = arith.constant 1 : i32
        "tpu.trace_start"() <{level = 10 : i32, message = "ep_run_kernel"}> : () -> ()
        scf.for %parallel_loop3A_293 = %parallel_loop3A_219 to %parallel_loop3A_220 step %parallel_loop3A_221  : i32 {
          %parallel_loop3A_294 = arith.constant 128 : i32
          %parallel_loop3A_295 = arith.divsi %parallel_loop3A_293, %parallel_loop3A_294 : i32
          %parallel_loop3A_296 = arith.constant 0 : i32
          %parallel_loop3A_297 = arith.cmpi sgt, %parallel_loop3A_293, %parallel_loop3A_296 : i32
          %parallel_loop3A_298 = arith.extui %parallel_loop3A_297 : i1 to i32
          %parallel_loop3A_299 = arith.constant 0 : i32
          %parallel_loop3A_300 = arith.cmpi slt, %parallel_loop3A_293, %parallel_loop3A_299 : i32
          %parallel_loop3A_301 = arith.extui %parallel_loop3A_300 : i1 to i32
          %parallel_loop3A_302 = arith.subi %parallel_loop3A_298, %parallel_loop3A_301 : i32
          %parallel_loop3A_303 = arith.constant 0 : i32
          %parallel_loop3A_304 = arith.cmpi sgt, %parallel_loop3A_294, %parallel_loop3A_303 : i32
          %parallel_loop3A_305 = arith.extui %parallel_loop3A_304 : i1 to i32
          %parallel_loop3A_306 = arith.constant 0 : i32
          %parallel_loop3A_307 = arith.cmpi slt, %parallel_loop3A_294, %parallel_loop3A_306 : i32
          %parallel_loop3A_308 = arith.extui %parallel_loop3A_307 : i1 to i32
          %parallel_loop3A_309 = arith.subi %parallel_loop3A_305, %parallel_loop3A_308 : i32
          %parallel_loop3A_310 = arith.cmpi ne, %parallel_loop3A_302, %parallel_loop3A_309 : i32
          %parallel_loop3A_311 = arith.remsi %parallel_loop3A_293, %parallel_loop3A_294 : i32
          %parallel_loop3A_312 = arith.constant 0 : i32
          %parallel_loop3A_313 = arith.cmpi ne, %parallel_loop3A_311, %parallel_loop3A_312 : i32
          %parallel_loop3A_314 = arith.andi %parallel_loop3A_310, %parallel_loop3A_313 : i1
          %parallel_loop3A_315 = arith.constant 1 : i32
          %parallel_loop3A_316 = arith.subi %parallel_loop3A_295, %parallel_loop3A_315 : i32
          %parallel_loop3A_317 = arith.select %parallel_loop3A_314, %parallel_loop3A_316, %parallel_loop3A_295 : i32
          %parallel_loop3A_318 = arith.constant 128 : i32
          %parallel_loop3A_319 = arith.constant 0 : i32
          %parallel_loop3A_320 = arith.cmpi eq, %parallel_loop3A_318, %parallel_loop3A_319 : i32
          %parallel_loop3A_321 = arith.constant 1 : i32
          %parallel_loop3A_322 = arith.select %parallel_loop3A_320, %parallel_loop3A_321, %parallel_loop3A_318 : i32
          %parallel_loop3A_323 = arith.remsi %parallel_loop3A_293, %parallel_loop3A_322 : i32
          %parallel_loop3A_324 = arith.constant 0 : i32
          %parallel_loop3A_325 = arith.cmpi ne, %parallel_loop3A_323, %parallel_loop3A_324 : i32
          %parallel_loop3A_326 = arith.constant 0 : i32
          %parallel_loop3A_327 = arith.cmpi slt, %parallel_loop3A_323, %parallel_loop3A_326 : i32
          %parallel_loop3A_328 = arith.constant 0 : i32
          %parallel_loop3A_329 = arith.cmpi slt, %parallel_loop3A_322, %parallel_loop3A_328 : i32
          %parallel_loop3A_330 = arith.xori %parallel_loop3A_327, %parallel_loop3A_329 : i1
          %parallel_loop3A_331 = arith.andi %parallel_loop3A_330, %parallel_loop3A_325 : i1
          %parallel_loop3A_332 = arith.addi %parallel_loop3A_323, %parallel_loop3A_322 : i32
          %parallel_loop3A_333 = arith.select %parallel_loop3A_331, %parallel_loop3A_332, %parallel_loop3A_323 : i32
          %parallel_loop3A_334 = arith.constant 16 : i32
          %parallel_loop3A_335 = arith.muli %parallel_loop3A_333, %parallel_loop3A_334 : i32
          %parallel_loop3A_336 = arith.constant 0 : i32
          %parallel_loop3A_337 = arith.constant 0 : i32
          %parallel_loop3A_338 = tpu.memref_slice %run_scoped3A[%rem3A_216, %parallel_loop3A_336, %parallel_loop3A_337] : memref<2x8x2048xf32, #tpu.memory_space<vmem>> -> memref<1x8x2048xf32, #tpu.memory_space<vmem>>
          %parallel_loop3A_339 = tpu.memref_squeeze %parallel_loop3A_338 : memref<1x8x2048xf32, #tpu.memory_space<vmem>> -> memref<8x2048xf32, #tpu.memory_space<vmem>>
          %parallel_loop3A_340 = arith.index_cast %parallel_loop3A_317 : i32 to index
          %parallel_loop3A_341 = arith.index_cast %parallel_loop3A_335 : i32 to index
          %parallel_loop3A_342 = tpu.vector_load %parallel_loop3A_339[%parallel_loop3A_340, %parallel_loop3A_341] {strides = array<i32>} : memref<8x2048xf32, #tpu.memory_space<vmem>>, vector<16xf32>,
          %parallel_loop3A_343 = arith.mulf %parallel_loop3A_342, %get3A_2 : vector<16xf32>
          %parallel_loop3A_344 = arith.addf %parallel_loop3A_343, %get3A_6 : vector<16xf32>
          %parallel_loop3A_345 = arith.constant 0.000000e+00 : f32
          %parallel_loop3A_346 = vector.broadcast %parallel_loop3A_345 : f32 to vector<16xf32>
          %parallel_loop3A_347 = arith.maximumf %parallel_loop3A_344, %parallel_loop3A_346 : vector<16xf32>
          %parallel_loop3A_348 = arith.constant 3.276700e+04 : f32
          %parallel_loop3A_349 = vector.broadcast %parallel_loop3A_348 : f32 to vector<16xf32>
          %parallel_loop3A_350 = arith.minimumf %parallel_loop3A_347, %parallel_loop3A_349 : vector<16xf32>
          %parallel_loop3A_351 = arith.fptosi %parallel_loop3A_350 : vector<16xf32> to vector<16xi32>
          %parallel_loop3A_352 = tpu.vector_load_idx %arg6[%parallel_loop3A_351] : memref<32768xf32, #tpu.memory_space<vmem>>[vector<16xi32>], vector<16xf32>,
          %parallel_loop3A_353 = arith.constant 0 : i32
          %parallel_loop3A_354 = arith.constant 0 : i32
          %parallel_loop3A_355 = tpu.memref_slice %run_scoped3A_25[%rem3A_218, %parallel_loop3A_353, %parallel_loop3A_354] : memref<2x8x2048xf32, #tpu.memory_space<vmem>> -> memref<1x8x2048xf32, #tpu.memory_space<vmem>>
          %parallel_loop3A_356 = tpu.memref_squeeze %parallel_loop3A_355 : memref<1x8x2048xf32, #tpu.memory_space<vmem>> -> memref<8x2048xf32, #tpu.memory_space<vmem>>
          %parallel_loop3A_357 = arith.index_cast %parallel_loop3A_317 : i32 to index
          %parallel_loop3A_358 = arith.index_cast %parallel_loop3A_335 : i32 to index
          %parallel_loop3A_359 = tpu.vector_load %parallel_loop3A_356[%parallel_loop3A_357, %parallel_loop3A_358] {strides = array<i32>} : memref<8x2048xf32, #tpu.memory_space<vmem>>, vector<16xf32>,
          tpu.vector_store %parallel_loop3A_356[%parallel_loop3A_357, %parallel_loop3A_358], %parallel_loop3A_352 {strides = array<i32>} : memref<8x2048xf32, #tpu.memory_space<vmem>>, vector<16xf32>,
        } {sc.loop_unroll_factor = 8 : i64, sc.parallel_access}
        "tpu.trace_stop"() : () -> ()
        %ne3A_222 = arith.cmpi ne, %add3A_148, %add3A_166 : i32
        %or3A_223 = arith.constant false
        %or3A_224 = arith.ori %or3A_223, %ne3A_222 : i1
        %or3A_225 = arith.constant false
        %or3A_226 = arith.ori %or3A_224, %or3A_225 : i1
        %or3A_227 = arith.ori %or3A_226, %eq3A_147 : i1
        %convert_element_type3A_228 = arith.extui %or3A_227 : i1 to i32
        %cond3A_229 = arith.constant 0 : i32
        %cond3A_230 = arith.cmpi ne, %convert_element_type3A_228, %cond3A_229 : i32
        scf.if %cond3A_230 {
        } else {
        }
        %and3A_231 = arith.constant false
        %and3A_232 = arith.andi %or3A_227, %and3A_231 : i1
        %ne3A_233 = arith.cmpi ne, %add3A_148, %add3A_166 : i32
        %or3A_234 = arith.constant false
        %or3A_235 = arith.ori %or3A_234, %ne3A_233 : i1
        %or3A_236 = arith.constant false
        %or3A_237 = arith.ori %or3A_235, %or3A_236 : i1
        %or3A_238 = arith.ori %or3A_237, %eq3A_147 : i1
        %convert_element_type3A_239 = arith.extui %or3A_238 : i1 to i32
        %cond3A_240 = arith.constant 0 : i32
        %cond3A_241 = arith.cmpi ne, %convert_element_type3A_239, %cond3A_240 : i32
        scf.if %cond3A_241 {
          "tpu.trace_start"() <{level = 10 : i32, message = "ep_copy_out"}> : () -> ()
          %rem3A_293 = arith.constant 2 : i32
          %rem3A_294 = arith.remui %scan3A_141, %rem3A_293 : i32
          %mul3A_295 = arith.constant 8 : i32
          %mul3A_296 = arith.muli %mul3A_295, %add3A_148 : i32
          %dma_start3A_297 = arith.constant 0 : i32
          %dma_start3A_298 = arith.constant 0 : i32
          %dma_start3A_299 = tpu.memref_slice %run_scoped3A_25[%rem3A_294, %dma_start3A_297, %dma_start3A_298] : memref<2x8x2048xf32, #tpu.memory_space<vmem>> -> memref<1x8x2048xf32, #tpu.memory_space<vmem>>
          %dma_start3A_300 = tpu.memref_squeeze %dma_start3A_299 : memref<1x8x2048xf32, #tpu.memory_space<vmem>> -> memref<8x2048xf32, #tpu.memory_space<vmem>>
          %dma_start3A_301 = arith.constant 0 : i32
          %dma_start3A_302 = tpu.memref_slice %arg5[%mul3A_296, %dma_start3A_301] : memref<16384x2048xf32, #tpu.memory_space<hbm>> -> memref<8x2048xf32, #tpu.memory_space<hbm>>
          %dma_start3A_303 = tpu.memref_slice %run_scoped3A_26[%rem3A_294] : memref<2x!tpu.dma_semaphore, #tpu.memory_space<semaphore_mem>> -> memref<1x!tpu.dma_semaphore, #tpu.memory_space<semaphore_mem>>
          %dma_start3A_304 = tpu.memref_squeeze %dma_start3A_303 : memref<1x!tpu.dma_semaphore, #tpu.memory_space<semaphore_mem>> -> memref<!tpu.dma_semaphore, #tpu.memory_space<semaphore_mem>>
          %dma_start3A_305 = arith.constant 0 : i32
          %dma_start3A_306 = tpu.memref_slice %arg5[%mul3A_296, %dma_start3A_305] : memref<16384x2048xf32, #tpu.memory_space<hbm>> -> memref<8x2048xf32, #tpu.memory_space<hbm>>
          %dma_start3A_307 = arith.constant 0 : i32
          %dma_start3A_308 = arith.constant 0 : i32
          %dma_start3A_309 = tpu.memref_slice %run_scoped3A_25[%rem3A_294, %dma_start3A_307, %dma_start3A_308] : memref<2x8x2048xf32, #tpu.memory_space<vmem>> -> memref<1x8x2048xf32, #tpu.memory_space<vmem>>
          %dma_start3A_310 = tpu.memref_squeeze %dma_start3A_309 : memref<1x8x2048xf32, #tpu.memory_space<vmem>> -> memref<8x2048xf32, #tpu.memory_space<vmem>>
          tpu.enqueue_dma source(%dma_start3A_310 : memref<8x2048xf32, #tpu.memory_space<vmem>>) target(%dma_start3A_306 : memref<8x2048xf32, #tpu.memory_space<hbm>>) target_semaphore(%dma_start3A_304 : memref<!tpu.dma_semaphore, #tpu.memory_space<semaphore_mem>>)
          "tpu.trace_stop"() : () -> ()
        } else {
        }
        %and3A_242 = arith.constant true
        %and3A_243 = arith.andi %or3A_238, %and3A_242 : i1
        %add3A_244 = arith.constant 1 : i32
        %add3A_245 = arith.addi %scan3A_141, %add3A_244 : i32
        %select_n3A_246 = arith.select %and3A_243, %add3A_245, %scan3A_141 : i32
        %ne3A_247 = arith.cmpi ne, %add3A_148, %add3A_157 : i32
        %or3A_248 = arith.constant false
        %or3A_249 = arith.ori %or3A_248, %ne3A_247 : i1
        %or3A_250 = arith.constant false
        %or3A_251 = arith.ori %or3A_249, %or3A_250 : i1
        %not3A_252 = arith.constant true
        %not3A_253 = arith.xori %eq3A_145, %not3A_252 : i1
        %and3A_254 = arith.andi %or3A_251, %not3A_253 : i1
        %convert_element_type3A_255 = arith.extui %and3A_254 : i1 to i32
        %cond3A_256 = arith.constant 0 : i32
        %cond3A_257 = arith.cmpi ne, %convert_element_type3A_255, %cond3A_256 : i32
        scf.if %cond3A_257 {
        } else {
        }
        %and3A_258 = arith.constant false
        %and3A_259 = arith.andi %and3A_254, %and3A_258 : i1
        %ne3A_260 = arith.cmpi ne, %add3A_148, %add3A_157 : i32
        %or3A_261 = arith.constant false
        %or3A_262 = arith.ori %or3A_261, %ne3A_260 : i1
        %or3A_263 = arith.constant false
        %or3A_264 = arith.ori %or3A_262, %or3A_263 : i1
        %not3A_265 = arith.constant true
        %not3A_266 = arith.xori %eq3A_145, %not3A_265 : i1
        %and3A_267 = arith.andi %or3A_264, %not3A_266 : i1
        %convert_element_type3A_268 = arith.extui %and3A_267 : i1 to i32
        %cond3A_269 = arith.constant 0 : i32
        %cond3A_270 = arith.cmpi ne, %convert_element_type3A_268, %cond3A_269 : i32
        scf.if %cond3A_270 {
          "tpu.trace_start"() <{level = 10 : i32, message = "ep_wait_out"}> : () -> ()
          %rem3A_293 = arith.constant 2 : i32
          %rem3A_294 = arith.remui %scan3A_142, %rem3A_293 : i32
          %mul3A_295 = arith.constant 8 : i32
          %mul3A_296 = arith.muli %mul3A_295, %add3A_157 : i32
          %dma_wait3A_297 = arith.constant 0 : i32
          %dma_wait3A_298 = arith.constant 0 : i32
          %dma_wait3A_299 = tpu.memref_slice %run_scoped3A_25[%rem3A_294, %dma_wait3A_297, %dma_wait3A_298] : memref<2x8x2048xf32, #tpu.memory_space<vmem>> -> memref<1x8x2048xf32, #tpu.memory_space<vmem>>
          %dma_wait3A_300 = tpu.memref_squeeze %dma_wait3A_299 : memref<1x8x2048xf32, #tpu.memory_space<vmem>> -> memref<8x2048xf32, #tpu.memory_space<vmem>>
          %dma_wait3A_301 = arith.constant 0 : i32
          %dma_wait3A_302 = tpu.memref_slice %arg5[%mul3A_296, %dma_wait3A_301] : memref<16384x2048xf32, #tpu.memory_space<hbm>> -> memref<8x2048xf32, #tpu.memory_space<hbm>>
          %dma_wait3A_303 = tpu.memref_slice %run_scoped3A_26[%rem3A_294] : memref<2x!tpu.dma_semaphore, #tpu.memory_space<semaphore_mem>> -> memref<1x!tpu.dma_semaphore, #tpu.memory_space<semaphore_mem>>
          %dma_wait3A_304 = tpu.memref_squeeze %dma_wait3A_303 : memref<1x!tpu.dma_semaphore, #tpu.memory_space<semaphore_mem>> -> memref<!tpu.dma_semaphore, #tpu.memory_space<semaphore_mem>>
          %dma_wait3A_305 = arith.constant 0 : i32
          %dma_wait3A_306 = tpu.memref_slice %arg5[%mul3A_296, %dma_wait3A_305] : memref<16384x2048xf32, #tpu.memory_space<hbm>> -> memref<8x2048xf32, #tpu.memory_space<hbm>>
          %dma_wait3A_307 = arith.constant 0 : i32
          %dma_wait3A_308 = arith.constant 0 : i32
          %dma_wait3A_309 = tpu.memref_slice %run_scoped3A_25[%rem3A_294, %dma_wait3A_307, %dma_wait3A_308] : memref<2x8x2048xf32, #tpu.memory_space<vmem>> -> memref<1x8x2048xf32, #tpu.memory_space<vmem>>
          %dma_wait3A_310 = tpu.memref_squeeze %dma_wait3A_309 : memref<1x8x2048xf32, #tpu.memory_space<vmem>> -> memref<8x2048xf32, #tpu.memory_space<vmem>>
          tpu.wait_dma2 semaphore(%dma_wait3A_304 : memref<!tpu.dma_semaphore, #tpu.memory_space<semaphore_mem>>) src(%dma_wait3A_310 : memref<8x2048xf32, #tpu.memory_space<vmem>>) dst(%dma_wait3A_306 : memref<8x2048xf32, #tpu.memory_space<hbm>>)
          "tpu.trace_stop"() : () -> ()
        } else {
        }
        %and3A_271 = arith.constant true
        %and3A_272 = arith.andi %and3A_267, %and3A_271 : i1
        %add3A_273 = arith.constant 1 : i32
        %add3A_274 = arith.addi %scan3A_142, %add3A_273 : i32
        %select_n3A_275 = arith.select %and3A_272, %add3A_274, %scan3A_142 : i32
        %ne3A_276 = arith.cmpi ne, %add3A_148, %add3A_166 : i32
        %or3A_277 = arith.constant false
        %or3A_278 = arith.ori %or3A_277, %ne3A_276 : i1
        %or3A_279 = arith.constant false
        %or3A_280 = arith.ori %or3A_278, %or3A_279 : i1
        %or3A_281 = arith.ori %or3A_280, %eq3A_147 : i1
        %add3A_282 = arith.constant 1 : i32
        %add3A_283 = arith.addi %scan3A_140, %add3A_282 : i32
        %select_n3A_284 = arith.select %or3A_281, %add3A_283, %scan3A_140 : i32
        %add3A_285 = arith.constant 1 : i32
        %add3A_286 = arith.addi %scan3A_143, %add3A_285 : i32
        %select_n3A_287 = arith.constant true
        %select_n3A_288 = arith.select %select_n3A_287, %add3A_286, %scan3A_143 : i32
        %eq3A_289 = arith.constant 64 : i32
        %eq3A_290 = arith.cmpi eq, %select_n3A_288, %eq3A_289 : i32
        %select_n3A_291 = arith.constant 0 : i32
        %select_n3A_292 = arith.select %eq3A_290, %select_n3A_291, %select_n3A_288 : i32
        scf.yield %select_n3A_186, %select_n3A_284, %select_n3A_246, %select_n3A_275, %select_n3A_292 : i32, i32, i32, i32, i32
      }
      %scan3A_85 = arith.constant 64 : i32
      %sub3A = arith.constant 1 : i32
      %sub3A_86 = arith.subi %scan3A_84#4, %sub3A : i32
      %select_n3A_87 = arith.constant true
      %select_n3A_88 = arith.select %select_n3A_87, %sub3A_86, %scan3A_84#4 : i32
      %eq3A_89 = arith.constant -1 : i32
      %eq3A_90 = arith.cmpi eq, %select_n3A_88, %eq3A_89 : i32
      %select_n3A_91 = arith.constant 63 : i32
      %select_n3A_92 = arith.select %eq3A_90, %select_n3A_91, %select_n3A_88 : i32
      %add3A_93 = arith.addi %select_n3A_92, %mul3A_23 : i32
      %sub3A_94 = arith.constant 1 : i32
      %sub3A_95 = arith.subi %select_n3A_92, %sub3A_94 : i32
      %select_n3A_96 = arith.constant true
      %select_n3A_97 = arith.select %select_n3A_96, %sub3A_95, %select_n3A_92 : i32
      %eq3A_98 = arith.constant -1 : i32
      %eq3A_99 = arith.cmpi eq, %select_n3A_97, %eq3A_98 : i32
      %select_n3A_100 = arith.constant 63 : i32
      %select_n3A_101 = arith.select %eq3A_99, %select_n3A_100, %select_n3A_97 : i32
      %add3A_102 = arith.addi %select_n3A_101, %mul3A_23 : i32
      %add3A_103 = arith.constant 1 : i32
      %add3A_104 = arith.addi %select_n3A_92, %add3A_103 : i32
      %select_n3A_105 = arith.constant true
      %select_n3A_106 = arith.select %select_n3A_105, %add3A_104, %select_n3A_92 : i32
      %eq3A_107 = arith.constant 64 : i32
      %eq3A_108 = arith.cmpi eq, %select_n3A_106, %eq3A_107 : i32
      %select_n3A_109 = arith.constant 0 : i32
      %select_n3A_110 = arith.select %eq3A_108, %select_n3A_109, %select_n3A_106 : i32
      %add3A_111 = arith.addi %select_n3A_110, %mul3A_23 : i32
      %add3A_112 = arith.constant 1 : i32
      %add3A_113 = arith.addi %select_n3A_110, %add3A_112 : i32
      %select_n3A_114 = arith.constant true
      %select_n3A_115 = arith.select %select_n3A_114, %add3A_113, %select_n3A_110 : i32
      %eq3A_116 = arith.constant 64 : i32
      %eq3A_117 = arith.cmpi eq, %select_n3A_115, %eq3A_116 : i32
      %select_n3A_118 = arith.constant 0 : i32
      %select_n3A_119 = arith.select %eq3A_117, %select_n3A_118, %select_n3A_115 : i32
      %add3A_120 = arith.addi %select_n3A_119, %mul3A_23 : i32
      "tpu.trace_start"() <{level = 10 : i32, message = "ep_finalize"}> : () -> ()
      %rem3A_121 = arith.constant 2 : i32
      %rem3A_122 = arith.remui %scan3A_84#3, %rem3A_121 : i32
      %mul3A_123 = arith.constant 8 : i32
      %mul3A_124 = arith.muli %mul3A_123, %add3A_93 : i32
      %dma_wait3A = arith.constant 0 : i32
      %dma_wait3A_125 = arith.constant 0 : i32
      %dma_wait3A_126 = tpu.memref_slice %run_scoped3A_25[%rem3A_122, %dma_wait3A, %dma_wait3A_125] : memref<2x8x2048xf32, #tpu.memory_space<vmem>> -> memref<1x8x2048xf32, #tpu.memory_space<vmem>>
      %dma_wait3A_127 = tpu.memref_squeeze %dma_wait3A_126 : memref<1x8x2048xf32, #tpu.memory_space<vmem>> -> memref<8x2048xf32, #tpu.memory_space<vmem>>
      %dma_wait3A_128 = arith.constant 0 : i32
      %dma_wait3A_129 = tpu.memref_slice %arg5[%mul3A_124, %dma_wait3A_128] : memref<16384x2048xf32, #tpu.memory_space<hbm>> -> memref<8x2048xf32, #tpu.memory_space<hbm>>
      %dma_wait3A_130 = tpu.memref_slice %run_scoped3A_26[%rem3A_122] : memref<2x!tpu.dma_semaphore, #tpu.memory_space<semaphore_mem>> -> memref<1x!tpu.dma_semaphore, #tpu.memory_space<semaphore_mem>>
      %dma_wait3A_131 = tpu.memref_squeeze %dma_wait3A_130 : memref<1x!tpu.dma_semaphore, #tpu.memory_space<semaphore_mem>> -> memref<!tpu.dma_semaphore, #tpu.memory_space<semaphore_mem>>
      %dma_wait3A_132 = arith.constant 0 : i32
      %dma_wait3A_133 = tpu.memref_slice %arg5[%mul3A_124, %dma_wait3A_132] : memref<16384x2048xf32, #tpu.memory_space<hbm>> -> memref<8x2048xf32, #tpu.memory_space<hbm>>
      %dma_wait3A_134 = arith.constant 0 : i32
      %dma_wait3A_135 = arith.constant 0 : i32
      %dma_wait3A_136 = tpu.memref_slice %run_scoped3A_25[%rem3A_122, %dma_wait3A_134, %dma_wait3A_135] : memref<2x8x2048xf32, #tpu.memory_space<vmem>> -> memref<1x8x2048xf32, #tpu.memory_space<vmem>>
      %dma_wait3A_137 = tpu.memref_squeeze %dma_wait3A_136 : memref<1x8x2048xf32, #tpu.memory_space<vmem>> -> memref<8x2048xf32, #tpu.memory_space<vmem>>
      tpu.wait_dma2 semaphore(%dma_wait3A_131 : memref<!tpu.dma_semaphore, #tpu.memory_space<semaphore_mem>>) src(%dma_wait3A_137 : memref<8x2048xf32, #tpu.memory_space<vmem>>) dst(%dma_wait3A_133 : memref<8x2048xf32, #tpu.memory_space<hbm>>)
      "tpu.trace_stop"() : () -> ()
      tpu.yield
    }) : () -> ()
    return
  }
}

#map = affine_map<(d0, d1) -> (0, 0)>
#map1 = affine_map<(d0, d1) -> (0, 0, 0)>
module attributes {stable_mosaic.version = 14 : i64} {
  func.func @_k(%arg0: i32, %arg1: i32, %arg2: memref<16384x2048xf32, #tpu.memory_space<hbm>>, %arg3: memref<32x2x16xf32, #tpu.memory_space<hbm>>, %arg4: memref<2x16xf32, #tpu.memory_space<vmem>>) attributes {dimension_semantics = [#tpu.dimension_semantics<core_parallel>, #tpu.dimension_semantics<subcore_parallel>], iteration_bounds = array<i64: 2, 16>, scalar_prefetch = 0 : i64, scratch_operands = 1 : i64, tpu.core_type = #tpu.core_type<sc_vector_subcore>, window_params = [{transform_indices = #map}, {transform_indices = #map1}]} {
    %broadcast_in_dim3A = arith.constant 0.000000e+00 : f32
    %broadcast_in_dim3A_0 = vector.broadcast %broadcast_in_dim3A : f32 to vector<16xf32>
    %swap3A = arith.constant 0 : i32
    %swap3A_1 = arith.index_cast %swap3A : i32 to index
    %swap3A_2 = arith.constant 0 : index
    %swap3A_3 = tpu.vector_load %arg4[%swap3A_1, %swap3A_2] {strides = array<i32>} : memref<2x16xf32, #tpu.memory_space<vmem>>, vector<16xf32>,
    tpu.vector_store %arg4[%swap3A_1, %swap3A_2], %broadcast_in_dim3A_0 {strides = array<i32>} : memref<2x16xf32, #tpu.memory_space<vmem>>, vector<16xf32>,
    %swap3A_4 = arith.constant 1 : i32
    %swap3A_5 = arith.index_cast %swap3A_4 : i32 to index
    %swap3A_6 = arith.constant 0 : index
    %swap3A_7 = tpu.vector_load %arg4[%swap3A_5, %swap3A_6] {strides = array<i32>} : memref<2x16xf32, #tpu.memory_space<vmem>>, vector<16xf32>,
    tpu.vector_store %arg4[%swap3A_5, %swap3A_6], %broadcast_in_dim3A_0 {strides = array<i32>} : memref<2x16xf32, #tpu.memory_space<vmem>>, vector<16xf32>,
    %mul3A = arith.constant 1 : i32
    %mul3A_8 = arith.muli %arg1, %mul3A : i32
    %add3A = arith.constant 0 : i32
    %add3A_9 = arith.addi %add3A, %mul3A_8 : i32
    %mul3A_10 = arith.constant 16 : i32
    %mul3A_11 = arith.muli %arg0, %mul3A_10 : i32
    %add3A_12 = arith.addi %add3A_9, %mul3A_11 : i32
    %mul3A_13 = arith.constant 28 : i32
    %mul3A_14 = arith.muli %add3A_12, %mul3A_13 : i32
    "tpu.region"() ({
      %run_scoped3A = memref.alloca() : memref<2x8x2048xf32, #tpu.memory_space<vmem>>
      %run_scoped3A_18 = tpu.sem_alloc : memref<2x!tpu.dma_semaphore, #tpu.memory_space<semaphore_mem>>
      %add3A_19 = arith.constant 0 : i32
      %add3A_20 = arith.addi %add3A_19, %mul3A_14 : i32
      %select_n3A = arith.constant true
      %select_n3A_21 = arith.constant 0 : i32
      %select_n3A_22 = arith.constant -1 : i32
      %select_n3A_23 = arith.select %select_n3A, %select_n3A_22, %select_n3A_21 : i32
      %eq3A = arith.constant -1 : i32
      %eq3A_24 = arith.cmpi eq, %select_n3A_23, %eq3A : i32
      %select_n3A_25 = arith.constant 27 : i32
      %select_n3A_26 = arith.select %eq3A_24, %select_n3A_25, %select_n3A_23 : i32
      %add3A_27 = arith.addi %select_n3A_26, %mul3A_14 : i32
      %select_n3A_28 = arith.constant true
      %select_n3A_29 = arith.constant 0 : i32
      %select_n3A_30 = arith.constant 1 : i32
      %select_n3A_31 = arith.select %select_n3A_28, %select_n3A_30, %select_n3A_29 : i32
      %eq3A_32 = arith.constant 28 : i32
      %eq3A_33 = arith.cmpi eq, %select_n3A_31, %eq3A_32 : i32
      %select_n3A_34 = arith.constant 0 : i32
      %select_n3A_35 = arith.select %eq3A_33, %select_n3A_34, %select_n3A_31 : i32
      %add3A_36 = arith.addi %select_n3A_35, %mul3A_14 : i32
      %add3A_37 = arith.constant 1 : i32
      %add3A_38 = arith.addi %select_n3A_35, %add3A_37 : i32
      %select_n3A_39 = arith.constant true
      %select_n3A_40 = arith.select %select_n3A_39, %add3A_38, %select_n3A_35 : i32
      %eq3A_41 = arith.constant 28 : i32
      %eq3A_42 = arith.cmpi eq, %select_n3A_40, %eq3A_41 : i32
      %select_n3A_43 = arith.constant 0 : i32
      %select_n3A_44 = arith.select %eq3A_42, %select_n3A_43, %select_n3A_40 : i32
      %add3A_45 = arith.addi %select_n3A_44, %mul3A_14 : i32
      "tpu.trace_start"() <{level = 10 : i32, message = "ep_initialize_0"}> : () -> ()
      %rem3A = arith.constant 0 : i32
      %rem3A_46 = arith.constant 2 : i32
      %rem3A_47 = arith.remui %rem3A, %rem3A_46 : i32
      %add3A_48 = arith.constant 1152 : i32
      %add3A_49 = arith.addi %add3A_20, %add3A_48 : i32
      %mul3A_50 = arith.constant 8 : i32
      %mul3A_51 = arith.muli %mul3A_50, %add3A_49 : i32
      %dma_start3A = arith.constant 0 : i32
      %dma_start3A_52 = arith.constant 0 : i32
      %dma_start3A_53 = tpu.memref_slice %run_scoped3A[%rem3A_47, %dma_start3A, %dma_start3A_52] : memref<2x8x2048xf32, #tpu.memory_space<vmem>> -> memref<1x8x2048xf32, #tpu.memory_space<vmem>>
      %dma_start3A_54 = tpu.memref_squeeze %dma_start3A_53 : memref<1x8x2048xf32, #tpu.memory_space<vmem>> -> memref<8x2048xf32, #tpu.memory_space<vmem>>
      %dma_start3A_55 = arith.constant 0 : i32
      %dma_start3A_56 = tpu.memref_slice %arg2[%mul3A_51, %dma_start3A_55] : memref<16384x2048xf32, #tpu.memory_space<hbm>> -> memref<8x2048xf32, #tpu.memory_space<hbm>>
      %dma_start3A_57 = tpu.memref_slice %run_scoped3A_18[%rem3A_47] : memref<2x!tpu.dma_semaphore, #tpu.memory_space<semaphore_mem>> -> memref<1x!tpu.dma_semaphore, #tpu.memory_space<semaphore_mem>>
      %dma_start3A_58 = tpu.memref_squeeze %dma_start3A_57 : memref<1x!tpu.dma_semaphore, #tpu.memory_space<semaphore_mem>> -> memref<!tpu.dma_semaphore, #tpu.memory_space<semaphore_mem>>
      %dma_start3A_59 = arith.constant 0 : i32
      %dma_start3A_60 = arith.constant 0 : i32
      %dma_start3A_61 = tpu.memref_slice %run_scoped3A[%rem3A_47, %dma_start3A_59, %dma_start3A_60] : memref<2x8x2048xf32, #tpu.memory_space<vmem>> -> memref<1x8x2048xf32, #tpu.memory_space<vmem>>
      %dma_start3A_62 = tpu.memref_squeeze %dma_start3A_61 : memref<1x8x2048xf32, #tpu.memory_space<vmem>> -> memref<8x2048xf32, #tpu.memory_space<vmem>>
      %dma_start3A_63 = arith.constant 0 : i32
      %dma_start3A_64 = tpu.memref_slice %arg2[%mul3A_51, %dma_start3A_63] : memref<16384x2048xf32, #tpu.memory_space<hbm>> -> memref<8x2048xf32, #tpu.memory_space<hbm>>
      tpu.enqueue_dma source(%dma_start3A_64 : memref<8x2048xf32, #tpu.memory_space<hbm>>) target(%dma_start3A_62 : memref<8x2048xf32, #tpu.memory_space<vmem>>) target_semaphore(%dma_start3A_58 : memref<!tpu.dma_semaphore, #tpu.memory_space<semaphore_mem>>)
      %add3A_65 = arith.constant 0 : i32
      %add3A_66 = arith.constant 1 : i32
      %add3A_67 = arith.addi %add3A_65, %add3A_66 : i32
      %select_n3A_68 = arith.constant true
      %select_n3A_69 = arith.constant 0 : i32
      %select_n3A_70 = arith.select %select_n3A_68, %add3A_67, %select_n3A_69 : i32
      "tpu.trace_stop"() : () -> ()
      %scan3A = arith.constant 0 : i32
      %scan3A_71 = arith.constant 0 : i32
      %scan3A_72 = arith.constant 0 : i32
      %scan3A_73 = arith.constant 28 : i32
      %scan3A_74 = arith.addi %scan3A_72, %scan3A_73 : i32
      %scan3A_75 = arith.constant 1 : i32
      %scan3A_76:3 = scf.for %scan3A_113 = %scan3A_72 to %scan3A_74 step %scan3A_75 iter_args(%scan3A_114 = %select_n3A_70, %scan3A_115 = %scan3A, %scan3A_116 = %scan3A_71) -> (i32, i32, i32)  : i32 {
        %eq3A_117 = arith.constant 0 : i32
        %eq3A_118 = arith.cmpi eq, %scan3A_113, %eq3A_117 : i32
        %eq3A_119 = arith.constant 27 : i32
        %eq3A_120 = arith.cmpi eq, %scan3A_113, %eq3A_119 : i32
        %add3A_121 = arith.addi %scan3A_116, %mul3A_14 : i32
        %sub3A_122 = arith.constant 1 : i32
        %sub3A_123 = arith.subi %scan3A_116, %sub3A_122 : i32
        %select_n3A_124 = arith.constant true
        %select_n3A_125 = arith.select %select_n3A_124, %sub3A_123, %scan3A_116 : i32
        %eq3A_126 = arith.constant -1 : i32
        %eq3A_127 = arith.cmpi eq, %select_n3A_125, %eq3A_126 : i32
        %select_n3A_128 = arith.constant 27 : i32
        %select_n3A_129 = arith.select %eq3A_127, %select_n3A_128, %select_n3A_125 : i32
        %add3A_130 = arith.addi %select_n3A_129, %mul3A_14 : i32
        %add3A_131 = arith.constant 1 : i32
        %add3A_132 = arith.addi %scan3A_116, %add3A_131 : i32
        %select_n3A_133 = arith.constant true
        %select_n3A_134 = arith.select %select_n3A_133, %add3A_132, %scan3A_116 : i32
        %eq3A_135 = arith.constant 28 : i32
        %eq3A_136 = arith.cmpi eq, %select_n3A_134, %eq3A_135 : i32
        %select_n3A_137 = arith.constant 0 : i32
        %select_n3A_138 = arith.select %eq3A_136, %select_n3A_137, %select_n3A_134 : i32
        %add3A_139 = arith.addi %select_n3A_138, %mul3A_14 : i32
        %add3A_140 = arith.constant 1 : i32
        %add3A_141 = arith.addi %select_n3A_138, %add3A_140 : i32
        %select_n3A_142 = arith.constant true
        %select_n3A_143 = arith.select %select_n3A_142, %add3A_141, %select_n3A_138 : i32
        %eq3A_144 = arith.constant 28 : i32
        %eq3A_145 = arith.cmpi eq, %select_n3A_143, %eq3A_144 : i32
        %select_n3A_146 = arith.constant 0 : i32
        %select_n3A_147 = arith.select %eq3A_145, %select_n3A_146, %select_n3A_143 : i32
        %add3A_148 = arith.addi %select_n3A_147, %mul3A_14 : i32
        %add3A_149 = arith.constant 1152 : i32
        %add3A_150 = arith.addi %add3A_121, %add3A_149 : i32
        %add3A_151 = arith.constant 1152 : i32
        %add3A_152 = arith.addi %add3A_139, %add3A_151 : i32
        %ne3A = arith.cmpi ne, %add3A_150, %add3A_152 : i32
        %or3A = arith.constant false
        %or3A_153 = arith.ori %or3A, %ne3A : i1
        %or3A_154 = arith.constant false
        %or3A_155 = arith.ori %or3A_153, %or3A_154 : i1
        %ge3A = arith.constant 27 : i32
        %ge3A_156 = arith.cmpi sge, %scan3A_113, %ge3A : i32
        %not3A = arith.constant true
        %not3A_157 = arith.xori %ge3A_156, %not3A : i1
        %and3A = arith.andi %or3A_155, %not3A_157 : i1
        %convert_element_type3A = arith.extui %and3A : i1 to i32
        %cond3A = arith.constant 0 : i32
        %cond3A_158 = arith.cmpi ne, %convert_element_type3A, %cond3A : i32
        scf.if %cond3A_158 {
          "tpu.trace_start"() <{level = 10 : i32, message = "ep_copy_in"}> : () -> ()
          %rem3A_260 = arith.constant 2 : i32
          %rem3A_261 = arith.remui %scan3A_114, %rem3A_260 : i32
          %add3A_262 = arith.constant 1152 : i32
          %add3A_263 = arith.addi %add3A_139, %add3A_262 : i32
          %mul3A_264 = arith.constant 8 : i32
          %mul3A_265 = arith.muli %mul3A_264, %add3A_263 : i32
          %dma_start3A_266 = arith.constant 0 : i32
          %dma_start3A_267 = arith.constant 0 : i32
          %dma_start3A_268 = tpu.memref_slice %run_scoped3A[%rem3A_261, %dma_start3A_266, %dma_start3A_267] : memref<2x8x2048xf32, #tpu.memory_space<vmem>> -> memref<1x8x2048xf32, #tpu.memory_space<vmem>>
          %dma_start3A_269 = tpu.memref_squeeze %dma_start3A_268 : memref<1x8x2048xf32, #tpu.memory_space<vmem>> -> memref<8x2048xf32, #tpu.memory_space<vmem>>
          %dma_start3A_270 = arith.constant 0 : i32
          %dma_start3A_271 = tpu.memref_slice %arg2[%mul3A_265, %dma_start3A_270] : memref<16384x2048xf32, #tpu.memory_space<hbm>> -> memref<8x2048xf32, #tpu.memory_space<hbm>>
          %dma_start3A_272 = tpu.memref_slice %run_scoped3A_18[%rem3A_261] : memref<2x!tpu.dma_semaphore, #tpu.memory_space<semaphore_mem>> -> memref<1x!tpu.dma_semaphore, #tpu.memory_space<semaphore_mem>>
          %dma_start3A_273 = tpu.memref_squeeze %dma_start3A_272 : memref<1x!tpu.dma_semaphore, #tpu.memory_space<semaphore_mem>> -> memref<!tpu.dma_semaphore, #tpu.memory_space<semaphore_mem>>
          %dma_start3A_274 = arith.constant 0 : i32
          %dma_start3A_275 = arith.constant 0 : i32
          %dma_start3A_276 = tpu.memref_slice %run_scoped3A[%rem3A_261, %dma_start3A_274, %dma_start3A_275] : memref<2x8x2048xf32, #tpu.memory_space<vmem>> -> memref<1x8x2048xf32, #tpu.memory_space<vmem>>
          %dma_start3A_277 = tpu.memref_squeeze %dma_start3A_276 : memref<1x8x2048xf32, #tpu.memory_space<vmem>> -> memref<8x2048xf32, #tpu.memory_space<vmem>>
          %dma_start3A_278 = arith.constant 0 : i32
          %dma_start3A_279 = tpu.memref_slice %arg2[%mul3A_265, %dma_start3A_278] : memref<16384x2048xf32, #tpu.memory_space<hbm>> -> memref<8x2048xf32, #tpu.memory_space<hbm>>
          tpu.enqueue_dma source(%dma_start3A_279 : memref<8x2048xf32, #tpu.memory_space<hbm>>) target(%dma_start3A_277 : memref<8x2048xf32, #tpu.memory_space<vmem>>) target_semaphore(%dma_start3A_273 : memref<!tpu.dma_semaphore, #tpu.memory_space<semaphore_mem>>)
          "tpu.trace_stop"() : () -> ()
        } else {
        }
        %and3A_159 = arith.constant true
        %and3A_160 = arith.andi %and3A, %and3A_159 : i1
        %add3A_161 = arith.constant 1 : i32
        %add3A_162 = arith.addi %scan3A_114, %add3A_161 : i32
        %select_n3A_163 = arith.select %and3A_160, %add3A_162, %scan3A_114 : i32
        %add3A_164 = arith.constant 1152 : i32
        %add3A_165 = arith.addi %add3A_121, %add3A_164 : i32
        %add3A_166 = arith.constant 1152 : i32
        %add3A_167 = arith.addi %add3A_130, %add3A_166 : i32
        %ne3A_168 = arith.cmpi ne, %add3A_165, %add3A_167 : i32
        %or3A_169 = arith.constant false
        %or3A_170 = arith.ori %or3A_169, %ne3A_168 : i1
        %or3A_171 = arith.constant false
        %or3A_172 = arith.ori %or3A_170, %or3A_171 : i1
        %or3A_173 = arith.ori %or3A_172, %eq3A_118 : i1
        %convert_element_type3A_174 = arith.extui %or3A_173 : i1 to i32
        %cond3A_175 = arith.constant 0 : i32
        %cond3A_176 = arith.cmpi ne, %convert_element_type3A_174, %cond3A_175 : i32
        scf.if %cond3A_176 {
          "tpu.trace_start"() <{level = 10 : i32, message = "ep_wait_in"}> : () -> ()
          %add3A_260 = arith.constant 1152 : i32
          %add3A_261 = arith.addi %add3A_121, %add3A_260 : i32
          %mul3A_262 = arith.constant 8 : i32
          %mul3A_263 = arith.muli %mul3A_262, %add3A_261 : i32
          %rem3A_264 = arith.constant 2 : i32
          %rem3A_265 = arith.remui %scan3A_115, %rem3A_264 : i32
          %dma_wait3A = arith.constant 0 : i32
          %dma_wait3A_266 = arith.constant 0 : i32
          %dma_wait3A_267 = tpu.memref_slice %run_scoped3A[%rem3A_265, %dma_wait3A, %dma_wait3A_266] : memref<2x8x2048xf32, #tpu.memory_space<vmem>> -> memref<1x8x2048xf32, #tpu.memory_space<vmem>>
          %dma_wait3A_268 = tpu.memref_squeeze %dma_wait3A_267 : memref<1x8x2048xf32, #tpu.memory_space<vmem>> -> memref<8x2048xf32, #tpu.memory_space<vmem>>
          %dma_wait3A_269 = arith.constant 0 : i32
          %dma_wait3A_270 = tpu.memref_slice %arg2[%mul3A_263, %dma_wait3A_269] : memref<16384x2048xf32, #tpu.memory_space<hbm>> -> memref<8x2048xf32, #tpu.memory_space<hbm>>
          %dma_wait3A_271 = tpu.memref_slice %run_scoped3A_18[%rem3A_265] : memref<2x!tpu.dma_semaphore, #tpu.memory_space<semaphore_mem>> -> memref<1x!tpu.dma_semaphore, #tpu.memory_space<semaphore_mem>>
          %dma_wait3A_272 = tpu.memref_squeeze %dma_wait3A_271 : memref<1x!tpu.dma_semaphore, #tpu.memory_space<semaphore_mem>> -> memref<!tpu.dma_semaphore, #tpu.memory_space<semaphore_mem>>
          %dma_wait3A_273 = arith.constant 0 : i32
          %dma_wait3A_274 = arith.constant 0 : i32
          %dma_wait3A_275 = tpu.memref_slice %run_scoped3A[%rem3A_265, %dma_wait3A_273, %dma_wait3A_274] : memref<2x8x2048xf32, #tpu.memory_space<vmem>> -> memref<1x8x2048xf32, #tpu.memory_space<vmem>>
          %dma_wait3A_276 = tpu.memref_squeeze %dma_wait3A_275 : memref<1x8x2048xf32, #tpu.memory_space<vmem>> -> memref<8x2048xf32, #tpu.memory_space<vmem>>
          %dma_wait3A_277 = arith.constant 0 : i32
          %dma_wait3A_278 = tpu.memref_slice %arg2[%mul3A_263, %dma_wait3A_277] : memref<16384x2048xf32, #tpu.memory_space<hbm>> -> memref<8x2048xf32, #tpu.memory_space<hbm>>
          tpu.wait_dma2 semaphore(%dma_wait3A_272 : memref<!tpu.dma_semaphore, #tpu.memory_space<semaphore_mem>>) src(%dma_wait3A_278 : memref<8x2048xf32, #tpu.memory_space<hbm>>) dst(%dma_wait3A_276 : memref<8x2048xf32, #tpu.memory_space<vmem>>)
          "tpu.trace_stop"() : () -> ()
        } else {
        }
        %rem3A_177 = arith.constant 2 : i32
        %rem3A_178 = arith.remui %scan3A_115, %rem3A_177 : i32
        %broadcast_in_dim3A_179 = arith.constant 0.000000e+00 : f32
        "tpu.trace_start"() <{level = 10 : i32, message = "ep_run_kernel"}> : () -> ()
        %broadcast_in_dim3A_180 = vector.broadcast %broadcast_in_dim3A_179 : f32 to vector<16xf32>
        %parallel_loop3A = arith.constant 0 : i32
        %parallel_loop3A_181 = arith.constant 1024 : i32
        %parallel_loop3A_182 = arith.constant 4 : i32
        %parallel_loop3A_183:8 = scf.for %parallel_loop3A_260 = %parallel_loop3A to %parallel_loop3A_181 step %parallel_loop3A_182 iter_args(%parallel_loop3A_261 = %broadcast_in_dim3A_180, %parallel_loop3A_262 = %broadcast_in_dim3A_180, %parallel_loop3A_263 = %broadcast_in_dim3A_180, %parallel_loop3A_264 = %broadcast_in_dim3A_180, %parallel_loop3A_265 = %broadcast_in_dim3A_180, %parallel_loop3A_266 = %broadcast_in_dim3A_180, %parallel_loop3A_267 = %broadcast_in_dim3A_180, %parallel_loop3A_268 = %broadcast_in_dim3A_180) -> (vector<16xf32>, vector<16xf32>, vector<16xf32>, vector<16xf32>, vector<16xf32>, vector<16xf32>, vector<16xf32>, vector<16xf32>)  : i32 {
          %parallel_loop3A_269 = arith.constant 0 : i32
          %parallel_loop3A_270 = arith.addi %parallel_loop3A_260, %parallel_loop3A_269 : i32
          %parallel_loop3A_271 = arith.constant 128 : i32
          %parallel_loop3A_272 = arith.divsi %parallel_loop3A_270, %parallel_loop3A_271 : i32
          %parallel_loop3A_273 = arith.constant 0 : i32
          %parallel_loop3A_274 = arith.cmpi sgt, %parallel_loop3A_270, %parallel_loop3A_273 : i32
          %parallel_loop3A_275 = arith.extui %parallel_loop3A_274 : i1 to i32
          %parallel_loop3A_276 = arith.constant 0 : i32
          %parallel_loop3A_277 = arith.cmpi slt, %parallel_loop3A_270, %parallel_loop3A_276 : i32
          %parallel_loop3A_278 = arith.extui %parallel_loop3A_277 : i1 to i32
          %parallel_loop3A_279 = arith.subi %parallel_loop3A_275, %parallel_loop3A_278 : i32
          %parallel_loop3A_280 = arith.constant 0 : i32
          %parallel_loop3A_281 = arith.cmpi sgt, %parallel_loop3A_271, %parallel_loop3A_280 : i32
          %parallel_loop3A_282 = arith.extui %parallel_loop3A_281 : i1 to i32
          %parallel_loop3A_283 = arith.constant 0 : i32
          %parallel_loop3A_284 = arith.cmpi slt, %parallel_loop3A_271, %parallel_loop3A_283 : i32
          %parallel_loop3A_285 = arith.extui %parallel_loop3A_284 : i1 to i32
          %parallel_loop3A_286 = arith.subi %parallel_loop3A_282, %parallel_loop3A_285 : i32
          %parallel_loop3A_287 = arith.cmpi ne, %parallel_loop3A_279, %parallel_loop3A_286 : i32
          %parallel_loop3A_288 = arith.remsi %parallel_loop3A_270, %parallel_loop3A_271 : i32
          %parallel_loop3A_289 = arith.constant 0 : i32
          %parallel_loop3A_290 = arith.cmpi ne, %parallel_loop3A_288, %parallel_loop3A_289 : i32
          %parallel_loop3A_291 = arith.andi %parallel_loop3A_287, %parallel_loop3A_290 : i1
          %parallel_loop3A_292 = arith.constant 1 : i32
          %parallel_loop3A_293 = arith.subi %parallel_loop3A_272, %parallel_loop3A_292 : i32
          %parallel_loop3A_294 = arith.select %parallel_loop3A_291, %parallel_loop3A_293, %parallel_loop3A_272 : i32
          %parallel_loop3A_295 = arith.constant 128 : i32
          %parallel_loop3A_296 = arith.constant 0 : i32
          %parallel_loop3A_297 = arith.cmpi eq, %parallel_loop3A_295, %parallel_loop3A_296 : i32
          %parallel_loop3A_298 = arith.constant 1 : i32
          %parallel_loop3A_299 = arith.select %parallel_loop3A_297, %parallel_loop3A_298, %parallel_loop3A_295 : i32
          %parallel_loop3A_300 = arith.remsi %parallel_loop3A_270, %parallel_loop3A_299 : i32
          %parallel_loop3A_301 = arith.constant 0 : i32
          %parallel_loop3A_302 = arith.cmpi ne, %parallel_loop3A_300, %parallel_loop3A_301 : i32
          %parallel_loop3A_303 = arith.constant 0 : i32
          %parallel_loop3A_304 = arith.cmpi slt, %parallel_loop3A_300, %parallel_loop3A_303 : i32
          %parallel_loop3A_305 = arith.constant 0 : i32
          %parallel_loop3A_306 = arith.cmpi slt, %parallel_loop3A_299, %parallel_loop3A_305 : i32
          %parallel_loop3A_307 = arith.xori %parallel_loop3A_304, %parallel_loop3A_306 : i1
          %parallel_loop3A_308 = arith.andi %parallel_loop3A_307, %parallel_loop3A_302 : i1
          %parallel_loop3A_309 = arith.addi %parallel_loop3A_300, %parallel_loop3A_299 : i32
          %parallel_loop3A_310 = arith.select %parallel_loop3A_308, %parallel_loop3A_309, %parallel_loop3A_300 : i32
          %parallel_loop3A_311 = arith.constant 16 : i32
          %parallel_loop3A_312 = arith.muli %parallel_loop3A_310, %parallel_loop3A_311 : i32
          %parallel_loop3A_313 = arith.constant 0 : i32
          %parallel_loop3A_314 = arith.constant 0 : i32
          %parallel_loop3A_315 = tpu.memref_slice %run_scoped3A[%rem3A_178, %parallel_loop3A_313, %parallel_loop3A_314] : memref<2x8x2048xf32, #tpu.memory_space<vmem>> -> memref<1x8x2048xf32, #tpu.memory_space<vmem>>
          %parallel_loop3A_316 = tpu.memref_squeeze %parallel_loop3A_315 : memref<1x8x2048xf32, #tpu.memory_space<vmem>> -> memref<8x2048xf32, #tpu.memory_space<vmem>>
          %parallel_loop3A_317 = arith.index_cast %parallel_loop3A_294 : i32 to index
          %parallel_loop3A_318 = arith.index_cast %parallel_loop3A_312 : i32 to index
          %parallel_loop3A_319 = tpu.vector_load %parallel_loop3A_316[%parallel_loop3A_317, %parallel_loop3A_318] {strides = array<i32>} : memref<8x2048xf32, #tpu.memory_space<vmem>>, vector<16xf32>,
          %parallel_loop3A_320 = arith.addf %parallel_loop3A_261, %parallel_loop3A_319 : vector<16xf32>
          %parallel_loop3A_321 = arith.mulf %parallel_loop3A_319, %parallel_loop3A_319 : vector<16xf32>
          %parallel_loop3A_322 = arith.addf %parallel_loop3A_262, %parallel_loop3A_321 : vector<16xf32>
          %parallel_loop3A_323 = arith.constant 1 : i32
          %parallel_loop3A_324 = arith.addi %parallel_loop3A_260, %parallel_loop3A_323 : i32
          %parallel_loop3A_325 = arith.constant 128 : i32
          %parallel_loop3A_326 = arith.divsi %parallel_loop3A_324, %parallel_loop3A_325 : i32
          %parallel_loop3A_327 = arith.constant 0 : i32
          %parallel_loop3A_328 = arith.cmpi sgt, %parallel_loop3A_324, %parallel_loop3A_327 : i32
          %parallel_loop3A_329 = arith.extui %parallel_loop3A_328 : i1 to i32
          %parallel_loop3A_330 = arith.constant 0 : i32
          %parallel_loop3A_331 = arith.cmpi slt, %parallel_loop3A_324, %parallel_loop3A_330 : i32
          %parallel_loop3A_332 = arith.extui %parallel_loop3A_331 : i1 to i32
          %parallel_loop3A_333 = arith.subi %parallel_loop3A_329, %parallel_loop3A_332 : i32
          %parallel_loop3A_334 = arith.constant 0 : i32
          %parallel_loop3A_335 = arith.cmpi sgt, %parallel_loop3A_325, %parallel_loop3A_334 : i32
          %parallel_loop3A_336 = arith.extui %parallel_loop3A_335 : i1 to i32
          %parallel_loop3A_337 = arith.constant 0 : i32
          %parallel_loop3A_338 = arith.cmpi slt, %parallel_loop3A_325, %parallel_loop3A_337 : i32
          %parallel_loop3A_339 = arith.extui %parallel_loop3A_338 : i1 to i32
          %parallel_loop3A_340 = arith.subi %parallel_loop3A_336, %parallel_loop3A_339 : i32
          %parallel_loop3A_341 = arith.cmpi ne, %parallel_loop3A_333, %parallel_loop3A_340 : i32
          %parallel_loop3A_342 = arith.remsi %parallel_loop3A_324, %parallel_loop3A_325 : i32
          %parallel_loop3A_343 = arith.constant 0 : i32
          %parallel_loop3A_344 = arith.cmpi ne, %parallel_loop3A_342, %parallel_loop3A_343 : i32
          %parallel_loop3A_345 = arith.andi %parallel_loop3A_341, %parallel_loop3A_344 : i1
          %parallel_loop3A_346 = arith.constant 1 : i32
          %parallel_loop3A_347 = arith.subi %parallel_loop3A_326, %parallel_loop3A_346 : i32
          %parallel_loop3A_348 = arith.select %parallel_loop3A_345, %parallel_loop3A_347, %parallel_loop3A_326 : i32
          %parallel_loop3A_349 = arith.constant 128 : i32
          %parallel_loop3A_350 = arith.constant 0 : i32
          %parallel_loop3A_351 = arith.cmpi eq, %parallel_loop3A_349, %parallel_loop3A_350 : i32
          %parallel_loop3A_352 = arith.constant 1 : i32
          %parallel_loop3A_353 = arith.select %parallel_loop3A_351, %parallel_loop3A_352, %parallel_loop3A_349 : i32
          %parallel_loop3A_354 = arith.remsi %parallel_loop3A_324, %parallel_loop3A_353 : i32
          %parallel_loop3A_355 = arith.constant 0 : i32
          %parallel_loop3A_356 = arith.cmpi ne, %parallel_loop3A_354, %parallel_loop3A_355 : i32
          %parallel_loop3A_357 = arith.constant 0 : i32
          %parallel_loop3A_358 = arith.cmpi slt, %parallel_loop3A_354, %parallel_loop3A_357 : i32
          %parallel_loop3A_359 = arith.constant 0 : i32
          %parallel_loop3A_360 = arith.cmpi slt, %parallel_loop3A_353, %parallel_loop3A_359 : i32
          %parallel_loop3A_361 = arith.xori %parallel_loop3A_358, %parallel_loop3A_360 : i1
          %parallel_loop3A_362 = arith.andi %parallel_loop3A_361, %parallel_loop3A_356 : i1
          %parallel_loop3A_363 = arith.addi %parallel_loop3A_354, %parallel_loop3A_353 : i32
          %parallel_loop3A_364 = arith.select %parallel_loop3A_362, %parallel_loop3A_363, %parallel_loop3A_354 : i32
          %parallel_loop3A_365 = arith.constant 16 : i32
          %parallel_loop3A_366 = arith.muli %parallel_loop3A_364, %parallel_loop3A_365 : i32
          %parallel_loop3A_367 = arith.constant 0 : i32
          %parallel_loop3A_368 = arith.constant 0 : i32
          %parallel_loop3A_369 = tpu.memref_slice %run_scoped3A[%rem3A_178, %parallel_loop3A_367, %parallel_loop3A_368] : memref<2x8x2048xf32, #tpu.memory_space<vmem>> -> memref<1x8x2048xf32, #tpu.memory_space<vmem>>
          %parallel_loop3A_370 = tpu.memref_squeeze %parallel_loop3A_369 : memref<1x8x2048xf32, #tpu.memory_space<vmem>> -> memref<8x2048xf32, #tpu.memory_space<vmem>>
          %parallel_loop3A_371 = arith.index_cast %parallel_loop3A_348 : i32 to index
          %parallel_loop3A_372 = arith.index_cast %parallel_loop3A_366 : i32 to index
          %parallel_loop3A_373 = tpu.vector_load %parallel_loop3A_370[%parallel_loop3A_371, %parallel_loop3A_372] {strides = array<i32>} : memref<8x2048xf32, #tpu.memory_space<vmem>>, vector<16xf32>,
          %parallel_loop3A_374 = arith.addf %parallel_loop3A_263, %parallel_loop3A_373 : vector<16xf32>
          %parallel_loop3A_375 = arith.mulf %parallel_loop3A_373, %parallel_loop3A_373 : vector<16xf32>
          %parallel_loop3A_376 = arith.addf %parallel_loop3A_264, %parallel_loop3A_375 : vector<16xf32>
          %parallel_loop3A_377 = arith.constant 2 : i32
          %parallel_loop3A_378 = arith.addi %parallel_loop3A_260, %parallel_loop3A_377 : i32
          %parallel_loop3A_379 = arith.constant 128 : i32
          %parallel_loop3A_380 = arith.divsi %parallel_loop3A_378, %parallel_loop3A_379 : i32
          %parallel_loop3A_381 = arith.constant 0 : i32
          %parallel_loop3A_382 = arith.cmpi sgt, %parallel_loop3A_378, %parallel_loop3A_381 : i32
          %parallel_loop3A_383 = arith.extui %parallel_loop3A_382 : i1 to i32
          %parallel_loop3A_384 = arith.constant 0 : i32
          %parallel_loop3A_385 = arith.cmpi slt, %parallel_loop3A_378, %parallel_loop3A_384 : i32
          %parallel_loop3A_386 = arith.extui %parallel_loop3A_385 : i1 to i32
          %parallel_loop3A_387 = arith.subi %parallel_loop3A_383, %parallel_loop3A_386 : i32
          %parallel_loop3A_388 = arith.constant 0 : i32
          %parallel_loop3A_389 = arith.cmpi sgt, %parallel_loop3A_379, %parallel_loop3A_388 : i32
          %parallel_loop3A_390 = arith.extui %parallel_loop3A_389 : i1 to i32
          %parallel_loop3A_391 = arith.constant 0 : i32
          %parallel_loop3A_392 = arith.cmpi slt, %parallel_loop3A_379, %parallel_loop3A_391 : i32
          %parallel_loop3A_393 = arith.extui %parallel_loop3A_392 : i1 to i32
          %parallel_loop3A_394 = arith.subi %parallel_loop3A_390, %parallel_loop3A_393 : i32
          %parallel_loop3A_395 = arith.cmpi ne, %parallel_loop3A_387, %parallel_loop3A_394 : i32
          %parallel_loop3A_396 = arith.remsi %parallel_loop3A_378, %parallel_loop3A_379 : i32
          %parallel_loop3A_397 = arith.constant 0 : i32
          %parallel_loop3A_398 = arith.cmpi ne, %parallel_loop3A_396, %parallel_loop3A_397 : i32
          %parallel_loop3A_399 = arith.andi %parallel_loop3A_395, %parallel_loop3A_398 : i1
          %parallel_loop3A_400 = arith.constant 1 : i32
          %parallel_loop3A_401 = arith.subi %parallel_loop3A_380, %parallel_loop3A_400 : i32
          %parallel_loop3A_402 = arith.select %parallel_loop3A_399, %parallel_loop3A_401, %parallel_loop3A_380 : i32
          %parallel_loop3A_403 = arith.constant 128 : i32
          %parallel_loop3A_404 = arith.constant 0 : i32
          %parallel_loop3A_405 = arith.cmpi eq, %parallel_loop3A_403, %parallel_loop3A_404 : i32
          %parallel_loop3A_406 = arith.constant 1 : i32
          %parallel_loop3A_407 = arith.select %parallel_loop3A_405, %parallel_loop3A_406, %parallel_loop3A_403 : i32
          %parallel_loop3A_408 = arith.remsi %parallel_loop3A_378, %parallel_loop3A_407 : i32
          %parallel_loop3A_409 = arith.constant 0 : i32
          %parallel_loop3A_410 = arith.cmpi ne, %parallel_loop3A_408, %parallel_loop3A_409 : i32
          %parallel_loop3A_411 = arith.constant 0 : i32
          %parallel_loop3A_412 = arith.cmpi slt, %parallel_loop3A_408, %parallel_loop3A_411 : i32
          %parallel_loop3A_413 = arith.constant 0 : i32
          %parallel_loop3A_414 = arith.cmpi slt, %parallel_loop3A_407, %parallel_loop3A_413 : i32
          %parallel_loop3A_415 = arith.xori %parallel_loop3A_412, %parallel_loop3A_414 : i1
          %parallel_loop3A_416 = arith.andi %parallel_loop3A_415, %parallel_loop3A_410 : i1
          %parallel_loop3A_417 = arith.addi %parallel_loop3A_408, %parallel_loop3A_407 : i32
          %parallel_loop3A_418 = arith.select %parallel_loop3A_416, %parallel_loop3A_417, %parallel_loop3A_408 : i32
          %parallel_loop3A_419 = arith.constant 16 : i32
          %parallel_loop3A_420 = arith.muli %parallel_loop3A_418, %parallel_loop3A_419 : i32
          %parallel_loop3A_421 = arith.constant 0 : i32
          %parallel_loop3A_422 = arith.constant 0 : i32
          %parallel_loop3A_423 = tpu.memref_slice %run_scoped3A[%rem3A_178, %parallel_loop3A_421, %parallel_loop3A_422] : memref<2x8x2048xf32, #tpu.memory_space<vmem>> -> memref<1x8x2048xf32, #tpu.memory_space<vmem>>
          %parallel_loop3A_424 = tpu.memref_squeeze %parallel_loop3A_423 : memref<1x8x2048xf32, #tpu.memory_space<vmem>> -> memref<8x2048xf32, #tpu.memory_space<vmem>>
          %parallel_loop3A_425 = arith.index_cast %parallel_loop3A_402 : i32 to index
          %parallel_loop3A_426 = arith.index_cast %parallel_loop3A_420 : i32 to index
          %parallel_loop3A_427 = tpu.vector_load %parallel_loop3A_424[%parallel_loop3A_425, %parallel_loop3A_426] {strides = array<i32>} : memref<8x2048xf32, #tpu.memory_space<vmem>>, vector<16xf32>,
          %parallel_loop3A_428 = arith.addf %parallel_loop3A_265, %parallel_loop3A_427 : vector<16xf32>
          %parallel_loop3A_429 = arith.mulf %parallel_loop3A_427, %parallel_loop3A_427 : vector<16xf32>
          %parallel_loop3A_430 = arith.addf %parallel_loop3A_266, %parallel_loop3A_429 : vector<16xf32>
          %parallel_loop3A_431 = arith.constant 3 : i32
          %parallel_loop3A_432 = arith.addi %parallel_loop3A_260, %parallel_loop3A_431 : i32
          %parallel_loop3A_433 = arith.constant 128 : i32
          %parallel_loop3A_434 = arith.divsi %parallel_loop3A_432, %parallel_loop3A_433 : i32
          %parallel_loop3A_435 = arith.constant 0 : i32
          %parallel_loop3A_436 = arith.cmpi sgt, %parallel_loop3A_432, %parallel_loop3A_435 : i32
          %parallel_loop3A_437 = arith.extui %parallel_loop3A_436 : i1 to i32
          %parallel_loop3A_438 = arith.constant 0 : i32
          %parallel_loop3A_439 = arith.cmpi slt, %parallel_loop3A_432, %parallel_loop3A_438 : i32
          %parallel_loop3A_440 = arith.extui %parallel_loop3A_439 : i1 to i32
          %parallel_loop3A_441 = arith.subi %parallel_loop3A_437, %parallel_loop3A_440 : i32
          %parallel_loop3A_442 = arith.constant 0 : i32
          %parallel_loop3A_443 = arith.cmpi sgt, %parallel_loop3A_433, %parallel_loop3A_442 : i32
          %parallel_loop3A_444 = arith.extui %parallel_loop3A_443 : i1 to i32
          %parallel_loop3A_445 = arith.constant 0 : i32
          %parallel_loop3A_446 = arith.cmpi slt, %parallel_loop3A_433, %parallel_loop3A_445 : i32
          %parallel_loop3A_447 = arith.extui %parallel_loop3A_446 : i1 to i32
          %parallel_loop3A_448 = arith.subi %parallel_loop3A_444, %parallel_loop3A_447 : i32
          %parallel_loop3A_449 = arith.cmpi ne, %parallel_loop3A_441, %parallel_loop3A_448 : i32
          %parallel_loop3A_450 = arith.remsi %parallel_loop3A_432, %parallel_loop3A_433 : i32
          %parallel_loop3A_451 = arith.constant 0 : i32
          %parallel_loop3A_452 = arith.cmpi ne, %parallel_loop3A_450, %parallel_loop3A_451 : i32
          %parallel_loop3A_453 = arith.andi %parallel_loop3A_449, %parallel_loop3A_452 : i1
          %parallel_loop3A_454 = arith.constant 1 : i32
          %parallel_loop3A_455 = arith.subi %parallel_loop3A_434, %parallel_loop3A_454 : i32
          %parallel_loop3A_456 = arith.select %parallel_loop3A_453, %parallel_loop3A_455, %parallel_loop3A_434 : i32
          %parallel_loop3A_457 = arith.constant 128 : i32
          %parallel_loop3A_458 = arith.constant 0 : i32
          %parallel_loop3A_459 = arith.cmpi eq, %parallel_loop3A_457, %parallel_loop3A_458 : i32
          %parallel_loop3A_460 = arith.constant 1 : i32
          %parallel_loop3A_461 = arith.select %parallel_loop3A_459, %parallel_loop3A_460, %parallel_loop3A_457 : i32
          %parallel_loop3A_462 = arith.remsi %parallel_loop3A_432, %parallel_loop3A_461 : i32
          %parallel_loop3A_463 = arith.constant 0 : i32
          %parallel_loop3A_464 = arith.cmpi ne, %parallel_loop3A_462, %parallel_loop3A_463 : i32
          %parallel_loop3A_465 = arith.constant 0 : i32
          %parallel_loop3A_466 = arith.cmpi slt, %parallel_loop3A_462, %parallel_loop3A_465 : i32
          %parallel_loop3A_467 = arith.constant 0 : i32
          %parallel_loop3A_468 = arith.cmpi slt, %parallel_loop3A_461, %parallel_loop3A_467 : i32
          %parallel_loop3A_469 = arith.xori %parallel_loop3A_466, %parallel_loop3A_468 : i1
          %parallel_loop3A_470 = arith.andi %parallel_loop3A_469, %parallel_loop3A_464 : i1
          %parallel_loop3A_471 = arith.addi %parallel_loop3A_462, %parallel_loop3A_461 : i32
          %parallel_loop3A_472 = arith.select %parallel_loop3A_470, %parallel_loop3A_471, %parallel_loop3A_462 : i32
          %parallel_loop3A_473 = arith.constant 16 : i32
          %parallel_loop3A_474 = arith.muli %parallel_loop3A_472, %parallel_loop3A_473 : i32
          %parallel_loop3A_475 = arith.constant 0 : i32
          %parallel_loop3A_476 = arith.constant 0 : i32
          %parallel_loop3A_477 = tpu.memref_slice %run_scoped3A[%rem3A_178, %parallel_loop3A_475, %parallel_loop3A_476] : memref<2x8x2048xf32, #tpu.memory_space<vmem>> -> memref<1x8x2048xf32, #tpu.memory_space<vmem>>
          %parallel_loop3A_478 = tpu.memref_squeeze %parallel_loop3A_477 : memref<1x8x2048xf32, #tpu.memory_space<vmem>> -> memref<8x2048xf32, #tpu.memory_space<vmem>>
          %parallel_loop3A_479 = arith.index_cast %parallel_loop3A_456 : i32 to index
          %parallel_loop3A_480 = arith.index_cast %parallel_loop3A_474 : i32 to index
          %parallel_loop3A_481 = tpu.vector_load %parallel_loop3A_478[%parallel_loop3A_479, %parallel_loop3A_480] {strides = array<i32>} : memref<8x2048xf32, #tpu.memory_space<vmem>>, vector<16xf32>,
          %parallel_loop3A_482 = arith.addf %parallel_loop3A_267, %parallel_loop3A_481 : vector<16xf32>
          %parallel_loop3A_483 = arith.mulf %parallel_loop3A_481, %parallel_loop3A_481 : vector<16xf32>
          %parallel_loop3A_484 = arith.addf %parallel_loop3A_268, %parallel_loop3A_483 : vector<16xf32>
          scf.yield %parallel_loop3A_320, %parallel_loop3A_322, %parallel_loop3A_374, %parallel_loop3A_376, %parallel_loop3A_428, %parallel_loop3A_430, %parallel_loop3A_482, %parallel_loop3A_484 : vector<16xf32>, vector<16xf32>, vector<16xf32>, vector<16xf32>, vector<16xf32>, vector<16xf32>, vector<16xf32>, vector<16xf32>
        } {sc.loop_unroll_factor = 2 : i64, sc.parallel_access}
        %get3A = arith.constant 0 : i32
        %get3A_184 = arith.index_cast %get3A : i32 to index
        %get3A_185 = arith.constant 0 : index
        %get3A_186 = tpu.vector_load %arg4[%get3A_184, %get3A_185] {strides = array<i32>} : memref<2x16xf32, #tpu.memory_space<vmem>>, vector<16xf32>,
        %add3A_187 = arith.addf %parallel_loop3A_183#0, %parallel_loop3A_183#2 : vector<16xf32>
        %add3A_188 = arith.addf %parallel_loop3A_183#4, %parallel_loop3A_183#6 : vector<16xf32>
        %add3A_189 = arith.addf %add3A_187, %add3A_188 : vector<16xf32>
        %add3A_190 = arith.addf %get3A_186, %add3A_189 : vector<16xf32>
        %swap3A_191 = arith.constant 0 : i32
        %swap3A_192 = arith.index_cast %swap3A_191 : i32 to index
        %swap3A_193 = arith.constant 0 : index
        %swap3A_194 = tpu.vector_load %arg4[%swap3A_192, %swap3A_193] {strides = array<i32>} : memref<2x16xf32, #tpu.memory_space<vmem>>, vector<16xf32>,
        tpu.vector_store %arg4[%swap3A_192, %swap3A_193], %add3A_190 {strides = array<i32>} : memref<2x16xf32, #tpu.memory_space<vmem>>, vector<16xf32>,
        %get3A_195 = arith.constant 1 : i32
        %get3A_196 = arith.index_cast %get3A_195 : i32 to index
        %get3A_197 = arith.constant 0 : index
        %get3A_198 = tpu.vector_load %arg4[%get3A_196, %get3A_197] {strides = array<i32>} : memref<2x16xf32, #tpu.memory_space<vmem>>, vector<16xf32>,
        %add3A_199 = arith.addf %parallel_loop3A_183#1, %parallel_loop3A_183#3 : vector<16xf32>
        %add3A_200 = arith.addf %parallel_loop3A_183#5, %parallel_loop3A_183#7 : vector<16xf32>
        %add3A_201 = arith.addf %add3A_199, %add3A_200 : vector<16xf32>
        %add3A_202 = arith.addf %get3A_198, %add3A_201 : vector<16xf32>
        %swap3A_203 = arith.constant 1 : i32
        %swap3A_204 = arith.index_cast %swap3A_203 : i32 to index
        %swap3A_205 = arith.constant 0 : index
        %swap3A_206 = tpu.vector_load %arg4[%swap3A_204, %swap3A_205] {strides = array<i32>} : memref<2x16xf32, #tpu.memory_space<vmem>>, vector<16xf32>,
        tpu.vector_store %arg4[%swap3A_204, %swap3A_205], %add3A_202 {strides = array<i32>} : memref<2x16xf32, #tpu.memory_space<vmem>>, vector<16xf32>,
        "tpu.trace_stop"() : () -> ()
        %add3A_207 = arith.constant 1152 : i32
        %add3A_208 = arith.addi %add3A_121, %add3A_207 : i32
        %add3A_209 = arith.constant 1152 : i32
        %add3A_210 = arith.addi %add3A_139, %add3A_209 : i32
        %ne3A_211 = arith.cmpi ne, %add3A_208, %add3A_210 : i32
        %or3A_212 = arith.constant false
        %or3A_213 = arith.ori %or3A_212, %ne3A_211 : i1
        %or3A_214 = arith.constant false
        %or3A_215 = arith.ori %or3A_213, %or3A_214 : i1
        %or3A_216 = arith.ori %or3A_215, %eq3A_120 : i1
        %convert_element_type3A_217 = arith.extui %or3A_216 : i1 to i32
        %cond3A_218 = arith.constant 0 : i32
        %cond3A_219 = arith.cmpi ne, %convert_element_type3A_217, %cond3A_218 : i32
        scf.if %cond3A_219 {
        } else {
        }
        %and3A_220 = arith.constant false
        %and3A_221 = arith.andi %or3A_216, %and3A_220 : i1
        %add3A_222 = arith.constant 1152 : i32
        %add3A_223 = arith.addi %add3A_121, %add3A_222 : i32
        %add3A_224 = arith.constant 1152 : i32
        %add3A_225 = arith.addi %add3A_130, %add3A_224 : i32
        %ne3A_226 = arith.cmpi ne, %add3A_223, %add3A_225 : i32
        %or3A_227 = arith.constant false
        %or3A_228 = arith.ori %or3A_227, %ne3A_226 : i1
        %or3A_229 = arith.constant false
        %or3A_230 = arith.ori %or3A_228, %or3A_229 : i1
        %not3A_231 = arith.constant true
        %not3A_232 = arith.xori %eq3A_118, %not3A_231 : i1
        %and3A_233 = arith.andi %or3A_230, %not3A_232 : i1
        %convert_element_type3A_234 = arith.extui %and3A_233 : i1 to i32
        %cond3A_235 = arith.constant 0 : i32
        %cond3A_236 = arith.cmpi ne, %convert_element_type3A_234, %cond3A_235 : i32
        scf.if %cond3A_236 {
        } else {
        }
        %and3A_237 = arith.constant false
        %and3A_238 = arith.andi %and3A_233, %and3A_237 : i1
        %add3A_239 = arith.constant 1152 : i32
        %add3A_240 = arith.addi %add3A_121, %add3A_239 : i32
        %add3A_241 = arith.constant 1152 : i32
        %add3A_242 = arith.addi %add3A_139, %add3A_241 : i32
        %ne3A_243 = arith.cmpi ne, %add3A_240, %add3A_242 : i32
        %or3A_244 = arith.constant false
        %or3A_245 = arith.ori %or3A_244, %ne3A_243 : i1
        %or3A_246 = arith.constant false
        %or3A_247 = arith.ori %or3A_245, %or3A_246 : i1
        %or3A_248 = arith.ori %or3A_247, %eq3A_120 : i1
        %add3A_249 = arith.constant 1 : i32
        %add3A_250 = arith.addi %scan3A_115, %add3A_249 : i32
        %select_n3A_251 = arith.select %or3A_248, %add3A_250, %scan3A_115 : i32
        %add3A_252 = arith.constant 1 : i32
        %add3A_253 = arith.addi %scan3A_116, %add3A_252 : i32
        %select_n3A_254 = arith.constant true
        %select_n3A_255 = arith.select %select_n3A_254, %add3A_253, %scan3A_116 : i32
        %eq3A_256 = arith.constant 28 : i32
        %eq3A_257 = arith.cmpi eq, %select_n3A_255, %eq3A_256 : i32
        %select_n3A_258 = arith.constant 0 : i32
        %select_n3A_259 = arith.select %eq3A_257, %select_n3A_258, %select_n3A_255 : i32
        scf.yield %select_n3A_163, %select_n3A_251, %select_n3A_259 : i32, i32, i32
      }
      %scan3A_77 = arith.constant 28 : i32
      %sub3A = arith.constant 1 : i32
      %sub3A_78 = arith.subi %scan3A_76#2, %sub3A : i32
      %select_n3A_79 = arith.constant true
      %select_n3A_80 = arith.select %select_n3A_79, %sub3A_78, %scan3A_76#2 : i32
      %eq3A_81 = arith.constant -1 : i32
      %eq3A_82 = arith.cmpi eq, %select_n3A_80, %eq3A_81 : i32
      %select_n3A_83 = arith.constant 27 : i32
      %select_n3A_84 = arith.select %eq3A_82, %select_n3A_83, %select_n3A_80 : i32
      %add3A_85 = arith.addi %select_n3A_84, %mul3A_14 : i32
      %sub3A_86 = arith.constant 1 : i32
      %sub3A_87 = arith.subi %select_n3A_84, %sub3A_86 : i32
      %select_n3A_88 = arith.constant true
      %select_n3A_89 = arith.select %select_n3A_88, %sub3A_87, %select_n3A_84 : i32
      %eq3A_90 = arith.constant -1 : i32
      %eq3A_91 = arith.cmpi eq, %select_n3A_89, %eq3A_90 : i32
      %select_n3A_92 = arith.constant 27 : i32
      %select_n3A_93 = arith.select %eq3A_91, %select_n3A_92, %select_n3A_89 : i32
      %add3A_94 = arith.addi %select_n3A_93, %mul3A_14 : i32
      %add3A_95 = arith.constant 1 : i32
      %add3A_96 = arith.addi %select_n3A_84, %add3A_95 : i32
      %select_n3A_97 = arith.constant true
      %select_n3A_98 = arith.select %select_n3A_97, %add3A_96, %select_n3A_84 : i32
      %eq3A_99 = arith.constant 28 : i32
      %eq3A_100 = arith.cmpi eq, %select_n3A_98, %eq3A_99 : i32
      %select_n3A_101 = arith.constant 0 : i32
      %select_n3A_102 = arith.select %eq3A_100, %select_n3A_101, %select_n3A_98 : i32
      %add3A_103 = arith.addi %select_n3A_102, %mul3A_14 : i32
      %add3A_104 = arith.constant 1 : i32
      %add3A_105 = arith.addi %select_n3A_102, %add3A_104 : i32
      %select_n3A_106 = arith.constant true
      %select_n3A_107 = arith.select %select_n3A_106, %add3A_105, %select_n3A_102 : i32
      %eq3A_108 = arith.constant 28 : i32
      %eq3A_109 = arith.cmpi eq, %select_n3A_107, %eq3A_108 : i32
      %select_n3A_110 = arith.constant 0 : i32
      %select_n3A_111 = arith.select %eq3A_109, %select_n3A_110, %select_n3A_107 : i32
      %add3A_112 = arith.addi %select_n3A_111, %mul3A_14 : i32
      tpu.yield
    }) : () -> ()
    %mul3A_15 = arith.constant 2 : i32
    %mul3A_16 = arith.muli %arg1, %mul3A_15 : i32
    %add3A_17 = arith.addi %mul3A_16, %arg0 : i32
    "tpu.region"() ({
      %run_scoped3A = tpu.sem_alloc : memref<!tpu.dma_semaphore, #tpu.memory_space<semaphore_mem>>
      %dma_start3A = arith.constant 0 : i32
      %dma_start3A_18 = arith.constant 0 : i32
      %dma_start3A_19 = tpu.memref_slice %arg3[%add3A_17, %dma_start3A, %dma_start3A_18] : memref<32x2x16xf32, #tpu.memory_space<hbm>> -> memref<1x2x16xf32, #tpu.memory_space<hbm>>
      %dma_start3A_20 = tpu.memref_squeeze %dma_start3A_19 : memref<1x2x16xf32, #tpu.memory_space<hbm>> -> memref<2x16xf32, #tpu.memory_space<hbm>>
      %dma_start3A_21 = arith.constant 0 : i32
      %dma_start3A_22 = arith.constant 0 : i32
      %dma_start3A_23 = tpu.memref_slice %arg3[%add3A_17, %dma_start3A_21, %dma_start3A_22] : memref<32x2x16xf32, #tpu.memory_space<hbm>> -> memref<1x2x16xf32, #tpu.memory_space<hbm>>
      %dma_start3A_24 = tpu.memref_squeeze %dma_start3A_23 : memref<1x2x16xf32, #tpu.memory_space<hbm>> -> memref<2x16xf32, #tpu.memory_space<hbm>>
      tpu.enqueue_dma source(%arg4 : memref<2x16xf32, #tpu.memory_space<vmem>>) target(%dma_start3A_24 : memref<2x16xf32, #tpu.memory_space<hbm>>) target_semaphore(%run_scoped3A : memref<!tpu.dma_semaphore, #tpu.memory_space<semaphore_mem>>)
      %dma_wait3A = arith.constant 0 : i32
      %dma_wait3A_25 = arith.constant 0 : i32
      %dma_wait3A_26 = tpu.memref_slice %arg3[%add3A_17, %dma_wait3A, %dma_wait3A_25] : memref<32x2x16xf32, #tpu.memory_space<hbm>> -> memref<1x2x16xf32, #tpu.memory_space<hbm>>
      %dma_wait3A_27 = tpu.memref_squeeze %dma_wait3A_26 : memref<1x2x16xf32, #tpu.memory_space<hbm>> -> memref<2x16xf32, #tpu.memory_space<hbm>>
      %dma_wait3A_28 = arith.constant 0 : i32
      %dma_wait3A_29 = arith.constant 0 : i32
      %dma_wait3A_30 = tpu.memref_slice %arg3[%add3A_17, %dma_wait3A_28, %dma_wait3A_29] : memref<32x2x16xf32, #tpu.memory_space<hbm>> -> memref<1x2x16xf32, #tpu.memory_space<hbm>>
      %dma_wait3A_31 = tpu.memref_squeeze %dma_wait3A_30 : memref<1x2x16xf32, #tpu.memory_space<hbm>> -> memref<2x16xf32, #tpu.memory_space<hbm>>
      tpu.wait_dma2 semaphore(%run_scoped3A : memref<!tpu.dma_semaphore, #tpu.memory_space<semaphore_mem>>) src(%arg4 : memref<2x16xf32, #tpu.memory_space<vmem>>) dst(%dma_wait3A_31 : memref<2x16xf32, #tpu.memory_space<hbm>>)
      tpu.yield
    }) : () -> ()
    return
  }
}

module attributes {stable_mosaic.version = 14 : i64} {
  func.func @_red_body(%arg0: i32, %arg1: memref<512x2048xf32, #tpu.memory_space<vmem>>, %arg2: memref<8x128xf32, #tpu.memory_space<vmem>>, %arg3: memref<1x2048xf32, #tpu.memory_space<vmem>>, %arg4: memref<1x2048xf32, #tpu.memory_space<vmem>>) attributes {dimension_semantics = [#tpu.dimension_semantics<arbitrary>], iteration_bounds = array<i64: 18>, scalar_prefetch = 0 : i64, scratch_operands = 2 : i64, tpu.core_type = #tpu.core_type<tc>, window_params = [{transform_indices = @transform_0, window_bounds = array<i64: 512, 2048>}, {pipeline_mode = #tpu.pipeline_mode<synchronous>, transform_indices = @transform_1, window_bounds = array<i64: 8, 128>}]} {
    %get3A = arith.constant 0 : index
    %get3A_0 = arith.constant 0 : index
    %get3A_1 = vector.load %arg1[%get3A, %get3A_0] : memref<512x2048xf32, #tpu.memory_space<vmem>>, vector<512x2048xf32>
    %reduce_sum3A = arith.constant dense<0.000000e+00> : vector<2048xf32>
    %reduce_sum3A_2 = vector.multi_reduction <add>, %get3A_1, %reduce_sum3A [0] : vector<512x2048xf32> to vector<2048xf32>
    %broadcast_in_dim3A = vector.shape_cast %reduce_sum3A_2 : vector<2048xf32> to vector<1x2048xf32>
    %mul3A = arith.mulf %get3A_1, %get3A_1 : vector<512x2048xf32>
    %reduce_sum3A_3 = arith.constant dense<0.000000e+00> : vector<2048xf32>
    %reduce_sum3A_4 = vector.multi_reduction <add>, %mul3A, %reduce_sum3A_3 [0] : vector<512x2048xf32> to vector<2048xf32>
    %broadcast_in_dim3A_5 = vector.shape_cast %reduce_sum3A_4 : vector<2048xf32> to vector<1x2048xf32>
    %eq3A = arith.constant 0 : i32
    %eq3A_6 = arith.cmpi eq, %arg0, %eq3A : i32
    %convert_element_type3A = arith.extui %eq3A_6 : i1 to i32
    %cond3A = arith.constant 0 : i32
    %cond3A_7 = arith.cmpi ne, %convert_element_type3A, %cond3A : i32
    scf.if %cond3A_7 {
      %swap3A = arith.constant 0 : index
      %swap3A_17 = arith.constant 0 : index
      %swap3A_18 = vector.load %arg3[%swap3A, %swap3A_17] : memref<1x2048xf32, #tpu.memory_space<vmem>>, vector<1x2048xf32>
      tpu.vector_store %arg3[%swap3A, %swap3A_17], %broadcast_in_dim3A {strides = array<i32>} : memref<1x2048xf32, #tpu.memory_space<vmem>>, vector<1x2048xf32>,
      %swap3A_19 = arith.constant 0 : index
      %swap3A_20 = arith.constant 0 : index
      %swap3A_21 = vector.load %arg4[%swap3A_19, %swap3A_20] : memref<1x2048xf32, #tpu.memory_space<vmem>>, vector<1x2048xf32>
      tpu.vector_store %arg4[%swap3A_19, %swap3A_20], %broadcast_in_dim3A_5 {strides = array<i32>} : memref<1x2048xf32, #tpu.memory_space<vmem>>, vector<1x2048xf32>,
    } else {
    }
    %ne3A = arith.constant 0 : i32
    %ne3A_8 = arith.cmpi ne, %arg0, %ne3A : i32
    %convert_element_type3A_9 = arith.extui %ne3A_8 : i1 to i32
    %cond3A_10 = arith.constant 0 : i32
    %cond3A_11 = arith.cmpi ne, %convert_element_type3A_9, %cond3A_10 : i32
    scf.if %cond3A_11 {
      %get3A_17 = arith.constant 0 : index
      %get3A_18 = arith.constant 0 : index
      %get3A_19 = vector.load %arg3[%get3A_17, %get3A_18] : memref<1x2048xf32, #tpu.memory_space<vmem>>, vector<1x2048xf32>
      %add3A = arith.addf %get3A_19, %broadcast_in_dim3A : vector<1x2048xf32>
      %swap3A = arith.constant 0 : index
      %swap3A_20 = arith.constant 0 : index
      %swap3A_21 = vector.load %arg3[%swap3A, %swap3A_20] : memref<1x2048xf32, #tpu.memory_space<vmem>>, vector<1x2048xf32>
      tpu.vector_store %arg3[%swap3A, %swap3A_20], %add3A {strides = array<i32>} : memref<1x2048xf32, #tpu.memory_space<vmem>>, vector<1x2048xf32>,
      %get3A_22 = arith.constant 0 : index
      %get3A_23 = arith.constant 0 : index
      %get3A_24 = vector.load %arg4[%get3A_22, %get3A_23] : memref<1x2048xf32, #tpu.memory_space<vmem>>, vector<1x2048xf32>
      %add3A_25 = arith.addf %get3A_24, %broadcast_in_dim3A_5 : vector<1x2048xf32>
      %swap3A_26 = arith.constant 0 : index
      %swap3A_27 = arith.constant 0 : index
      %swap3A_28 = vector.load %arg4[%swap3A_26, %swap3A_27] : memref<1x2048xf32, #tpu.memory_space<vmem>>, vector<1x2048xf32>
      tpu.vector_store %arg4[%swap3A_26, %swap3A_27], %add3A_25 {strides = array<i32>} : memref<1x2048xf32, #tpu.memory_space<vmem>>, vector<1x2048xf32>,
    } else {
    }
    %eq3A_12 = arith.constant 17 : i32
    %eq3A_13 = arith.cmpi eq, %arg0, %eq3A_12 : i32
    %convert_element_type3A_14 = arith.extui %eq3A_13 : i1 to i32
    %cond3A_15 = arith.constant 0 : i32
    %cond3A_16 = arith.cmpi ne, %convert_element_type3A_14, %cond3A_15 : i32
    scf.if %cond3A_16 {
      %get3A_17 = arith.constant 0 : index
      %get3A_18 = arith.constant 0 : index
      %get3A_19 = vector.load %arg3[%get3A_17, %get3A_18] : memref<1x2048xf32, #tpu.memory_space<vmem>>, vector<1x2048xf32>
      %reduce_sum3A_20 = vector.shape_cast %get3A_19 : vector<1x2048xf32> to vector<1x1x2048xf32>
      %reduce_sum3A_21 = arith.constant dense<0.000000e+00> : vector<1xf32>
      %reduce_sum3A_22 = vector.multi_reduction <add>, %reduce_sum3A_20, %reduce_sum3A_21 [1, 2] : vector<1x1x2048xf32> to vector<1xf32>
      %reduce_sum3A_23 = vector.shape_cast %reduce_sum3A_22 : vector<1xf32> to vector<1x1x1xf32>
      %reduce_sum3A_24 = vector.extract %reduce_sum3A_23[0, 0, 0] : f32 from vector<1x1x1xf32>
      %get3A_25 = arith.constant 0 : index
      %get3A_26 = arith.constant 0 : index
      %get3A_27 = vector.load %arg4[%get3A_25, %get3A_26] : memref<1x2048xf32, #tpu.memory_space<vmem>>, vector<1x2048xf32>
      %reduce_sum3A_28 = vector.shape_cast %get3A_27 : vector<1x2048xf32> to vector<1x1x2048xf32>
      %reduce_sum3A_29 = arith.constant dense<0.000000e+00> : vector<1xf32>
      %reduce_sum3A_30 = vector.multi_reduction <add>, %reduce_sum3A_28, %reduce_sum3A_29 [1, 2] : vector<1x1x2048xf32> to vector<1xf32>
      %reduce_sum3A_31 = vector.shape_cast %reduce_sum3A_30 : vector<1xf32> to vector<1x1x1xf32>
      %reduce_sum3A_32 = vector.extract %reduce_sum3A_31[0, 0, 0] : f32 from vector<1x1x1xf32>
      %iota3A = tpu.iota {dimensions = array<i32: 0>} : vector<8x128xi32>
      %eq3A_33 = arith.constant 0 : i32
      %eq3A_34 = vector.broadcast %eq3A_33 : i32 to vector<8x128xi32>
      %eq3A_35 = arith.cmpi eq, %iota3A, %eq3A_34 : vector<8x128xi32>
      %eq3A_36 = arith.constant 1 : i32
      %eq3A_37 = vector.broadcast %eq3A_36 : i32 to vector<8x128xi32>
      %eq3A_38 = arith.cmpi eq, %iota3A, %eq3A_37 : vector<8x128xi32>
      %jit3A = arith.constant 0.000000e+00 : f32
      %broadcast_in_dim3A_39 = vector.broadcast %reduce_sum3A_32 : f32 to vector<8x128xf32>
      %broadcast_in_dim3A_40 = vector.broadcast %jit3A : f32 to vector<8x128xf32>
      %select_n3A = arith.select %eq3A_38, %broadcast_in_dim3A_39, %broadcast_in_dim3A_40 : vector<8x128xi1>, vector<8x128xf32>
      %broadcast_in_dim3A_41 = vector.broadcast %reduce_sum3A_24 : f32 to vector<8x128xf32>
      %select_n3A_42 = arith.select %eq3A_35, %broadcast_in_dim3A_41, %select_n3A : vector<8x128xi1>, vector<8x128xf32>
      %swap3A = arith.constant 0 : index
      %swap3A_43 = arith.constant 0 : index
      %swap3A_44 = vector.load %arg2[%swap3A, %swap3A_43] : memref<8x128xf32, #tpu.memory_space<vmem>>, vector<8x128xf32>
      tpu.vector_store %arg2[%swap3A, %swap3A_43], %select_n3A_42 {strides = array<i32>} : memref<8x128xf32, #tpu.memory_space<vmem>>, vector<8x128xf32>,
    } else {
    }
    return
  }
  func.func @transform_0(%arg0: i32) -> (i32, i32) {
    %c0_i32 = arith.constant 0 : i32
    %c0_i32_0 = arith.constant 0 : i32
    return %arg0, %c0_i32 : i32, i32
  }
  func.func @transform_1(%arg0: i32) -> (i32, i32) {
    %c0_i32 = arith.constant 0 : i32
    %c0_i32_0 = arith.constant 0 : i32
    %c0_i32_1 = arith.constant 0 : i32
    return %c0_i32, %c0_i32_0 : i32, i32
  }
}

</mosaic_0001>

<sc_bundles>
// kernel: kernel.5.cloned.1.call-start
scs
__scs_entry_jumppad:
0x0: {  	(pc) =	sbr.rel $0x88, $3  }
0x1: {  	(tag) =	ssettag $0x0;
	lr =	simm.s32 $0x1  }
0x2: {  	[smem:$0x3FA0] =	sst lr;
	_ =	strace $0xD0000000  }
0x3: {  	_ = 	snop  }
0x4: {  	_ = 	snop  }
0x5: {  	_ = 	snop  }
0x6: {  	_ = 	snop  }
0x7: {  	_ = 	snop  }
__scs_overlays_trampoline_lowered:
0x8: {  	[smem:$0x3FAF] =	sst s0  }
0x9: {  	[smem:$0x3FB0] =	sst s1  }
0xa: {  	[smem:$0x3FB1] =	sst s2  }
0xb: {  	[smem:$0x3FB2] =	sst s3  }
0xc: {  	[smem:$0x3FB3] =	sst s4  }
0xd: {  	[smem:$0x3FB4] =	sst s5  }
0xe: {  	[smem:$0x3FB5] =	sst s6  }
0xf: {  	[smem:$0x3FB6] =	sst s7  }
0x10: {  	[smem:$0x3FB7] =	sst s8  }
0x11: {  	[smem:$0x3FB8] =	sst s9;
	s0 =	simm.s32 @!p0 $0x0  }
0x12: {  	s1 =	sld [smem:$0x3F9E];
	s0 =	simm.s32 @p0 $0x1  }
0x13: {  	[smem:$0x3FB9] =	sst s0;
	s0 =	simm.s32 @!p1 $0x0  }
0x14: {  	s2 =	sld [smem:$0x3F9D];
	s0 =	simm.s32 @p1 $0x1  }
0x15: {  	[smem:$0x3FBA] =	sst s0;
	s0 =	simm.s32 @!p2 $0x0  }
0x16: {  	s3 =	sld [smem:$0x3FDB];
	s0 =	simm.s32 @p2 $0x1  }
0x17: {  	s4 =	simm.s32 $0x1BF5;
	[smem:$0x3FBC] =	sst s0  }
0x18: {  	s0 =	sld [smem:$0x3F9F];
	_ =	swait.ge [sflag:s4], $0x0  }
0x19: {  	s7 =	sld [smem:$0x3FA0]  }
0x1a: {  	s8 =	sadd.s32 $0xFFFFE003, lr  }
0x1b: {  	s9 =	sadd.s32 $0xFFFFFEF7, lr;
	s5 =	simm.s32 $0xFFFFFFFF;
	p2 =	slt.u32 s8, $0xFFFFF086  }
0x1c: {  	p1 =	slt.u32 s9, $0xF7A;
	s5 =	simm.s32 @!p2 $0x0  }
0x1d: {  	s5 =	simm.s32 @p1 $0x1;
	p0 =	seq.s32 s7, s2  }
0x1e: {  	s7 =	smul.u32 @!p0 $0xF7A, s2;
	p2 =	seq.s32 @!p0 s5, $0x0  }
0x1f: {  	s9 =	smul.u32 $0xF7A, s1;
	s8 =	simm.s32 @!p0 $0x1BF5;
	p2 =	por !p2, p0  }
0x20: {  	[sflag:s8] =	ssyncset.s32 @!p0 $0xFFFFF086;
	s6 =	sadd.s32 @!p0 s3, s7;
	s7 =	simm.s32 @!p0 $0x108  }
0x21: {  	s3 =	sadd.s32 s3, s9;
	s6 =	sadd.s32 @!p0 $0x88, s6;
	s7 =	simm.s32 @p2 $0x1082  }
0x22: {  	[simem:s7], [sflag:s8] =	dma.local @!p0 [hbm:s6], $0xF7A  }
0x23: {  	s9 =	sor.u32 $0xD0000000, s2;
	s6 =	simm.s32 $0x108;
	_ =	swait.ge @!p0 [sflag:s8], $0x0  }
0x24: {  	s3 =	sadd.s32 $0x88, s3;
	s6 =	simm.s32 @!p1 $0x1082;
	[sflag:s4] =	ssyncset.s32 $0xFFFFF086  }
0x25: {  	[simem:s6], [sflag:s4] =	dma.local [hbm:s3], $0xF7A  }
0x26: {  	[smem:$0x3FA0] =	sst s1;
	(tag) =	ssettag s2;
	_ =	strace s9  }
0x27: {  	s1 =	sld [smem:$0x3FB0]  }
0x28: {  	s2 =	sld [smem:$0x3FB1]  }
0x29: {  	s4 =	sld [smem:$0x3FB3]  }
0x2a: {  	p0 =	seq.s32 s5, $0x0;
	s5 =	sld [smem:$0x3FB4]  }
0x2b: {  	s6 =	sld [smem:$0x3FB5]  }
0x2c: {  	s7 =	sld [smem:$0x3FB6]  }
0x2d: {  	s3 =	simm.s32 $0x108;
	s8 =	sld [smem:$0x3FB7]  }
0x2e: {  	s3 =	simm.s32 @!p0 $0x1082;
	s9 =	sld [smem:$0x3FB8]  }
0x2f: {  	lr =	sadd.s32 s0, s3;
	s0 =	sld [smem:$0x3FAF]  }
0x30: {  	s3 =	sld [smem:$0x3FB2]  }
0x31: {  	[smem:$0x3FBB] =	sst s10  }
0x32: {  	s10 =	sld [smem:$0x3FB9];
	_ =	sdelay $0x3  }
0x33: {  	p0 =	seq.s32 s10, $0x1;
	s10 =	sld [smem:$0x3FBB];
	_ =	sdelay $0x3  }
0x34: {  	[smem:$0x3FBB] =	sst s10  }
0x35: {  	s10 =	sld [smem:$0x3FBA];
	_ =	sdelay $0x3  }
0x36: {  	p1 =	seq.s32 s10, $0x1;
	s10 =	sld [smem:$0x3FBB];
	_ =	sdelay $0x3  }
0x37: {  	[smem:$0x3FBB] =	sst s10  }
0x38: {  	s10 =	sld [smem:$0x3FBC]  }
0x39: {  	_ = 	snop;
	(pc) =	sbr.ind lr, $3  }
0x3a: {  	_ = 	snop  }
0x3b: {  	_ = 	snop  }
0x3c: {  	p2 =	seq.s32 s10, $0x1;
	s10 =	sld [smem:$0x3FBB]  }
0x3d: {  	_ =	shalt  }
0x3e: {  	_ =	shalt  }
0x3f: {  	_ =	shalt  }
0x40: {  	_ =	shalt  }
0x41: {  	_ =	shalt  }
0x42: {  	_ =	shalt  }
0x43: {  	_ =	shalt  }
0x44: {  	_ =	shalt  }
0x45: {  	_ =	shalt  }
0x46: {  	_ =	shalt  }
0x47: {  	_ =	shalt  }
0x48: {  	_ =	shalt  }
0x49: {  	_ =	shalt  }
0x4a: {  	_ =	shalt  }
0x4b: {  	_ =	shalt  }
0x4c: {  	_ =	shalt  }
0x4d: {  	_ =	shalt  }
0x4e: {  	_ =	shalt  }
0x4f: {  	_ =	shalt  }
0x50: {  	_ =	shalt  }
0x51: {  	_ =	shalt  }
0x52: {  	_ =	shalt  }
0x53: {  	_ =	shalt  }
0x54: {  	_ =	shalt  }
0x55: {  	_ =	shalt  }
0x56: {  	_ =	shalt  }
0x57: {  	_ =	shalt  }
0x58: {  	_ =	shalt  }
0x59: {  	_ =	shalt  }
0x5a: {  	_ =	shalt  }
0x5b: {  	_ =	shalt  }
0x5c: {  	_ =	shalt  }
0x5d: {  	_ =	shalt  }
0x5e: {  	_ =	shalt  }
0x5f: {  	_ =	shalt  }
0x60: {  	_ =	shalt  }
0x61: {  	_ =	shalt  }
0x62: {  	_ =	shalt  }
0x63: {  	_ =	shalt  }
0x64: {  	_ =	shalt  }
0x65: {  	_ =	shalt  }
0x66: {  	_ =	shalt  }
0x67: {  	_ =	shalt  }
0x68: {  	_ =	shalt  }
0x69: {  	_ =	shalt  }
0x6a: {  	_ =	shalt  }
0x6b: {  	_ =	shalt  }
0x6c: {  	_ =	shalt  }
0x6d: {  	_ =	shalt  }
0x6e: {  	_ =	shalt  }
0x6f: {  	_ =	shalt  }
0x70: {  	_ =	shalt  }
0x71: {  	_ =	shalt  }
0x72: {  	_ =	shalt  }
0x73: {  	_ =	shalt  }
0x74: {  	_ =	shalt  }
0x75: {  	_ =	shalt  }
0x76: {  	_ =	shalt  }
0x77: {  	_ =	shalt  }
0x78: {  	_ =	shalt  }
0x79: {  	_ =	shalt  }
0x7a: {  	_ =	shalt  }
0x7b: {  	_ =	shalt  }
0x7c: {  	_ =	shalt  }
0x7d: {  	_ =	shalt  }
0x7e: {  	_ =	shalt  }
0x7f: {  	_ =	shalt  }
0x80: {  	_ =	shalt  }
0x81: {  	_ =	shalt  }
0x82: {  	_ =	shalt  }
0x83: {  	_ =	shalt  }
0x84: {  	_ =	shalt  }
0x85: {  	_ =	shalt  }
0x86: {  	_ =	shalt  }
0x87: {  	_ =	shalt  }
.Lfunc_end0:
.L_simem_size_0:
called_computation_lowered:
.L_overlay_start_0:
0x88: {  	s2 =	sld [smem:$0x3FD9]  }
0x89: {  	s3 =	sld [smem:$0x3FFE];
	_ =	sdelay $0x1  }
0x8a: {  	s1 =	srdreg.scid  }
0x8b: {  	s0 =	sand.u32 $0x1, s1  }
0x8c: {  	s18 =	sshll.u32 s0, $0xA;
	s2 =	sadd.s32 s3, s2  }
0x8d: {  	s2 =	sadd.s32 s2, s18  }
0x8e: {  	[smem:$0x3FC7] =	sst s2  }
0x8f: {  	_ = 	snop  }
0x90: {  	s2 =	sld [smem:$0x3FC9]  }
0x91: {  	s19 =	sld [smem:$0x3FD0];
	(tm) =	ssettm $0x1  }
0x92: {  	s4 =	sld [smem:$0x3FFB];
	_ =	sdelay $0x3  }
0x93: {  	_ =	strace s4  }
0x94: {  	s4 =	sld [smem:$0x3FFC];
	_ =	sdelay $0x3  }
0x95: {  	_ =	strace s4  }
0x96: {  	s4 =	sld [smem:$0x3FFD];
	_ =	sdelay $0x3  }
0x97: {  	_ =	strace s4  }
0x98: {  	_ =	strace $0x8FFFFFFF  }
0x99: {  	s20 =	sld [smem:$0x3FDB];
	_ =	sdelay $0x1  }
0x9a: {  	s5 =	simm.s32 $_scs_section_size  }
0x9b: {  	s6 =	simm.s32 $_size__tile_overlayer_lowered;
	s7 =	simm.s32 $_tile_overlayer_lowered  }
0x9c: {  	s23 =	simm.s32 $0x1BFF;
	s22 =	sshll.u32 s7, $0x1;
	s4 =	sadd.s32 s5, s20  }
0x9d: {  	s8 =	simm.s32 $0x0;
	s21 =	sshll.u32 s6, $0x1;
	s6 =	sadd.s32 s22, s4  }
0x9e: {  	[timem:s8], [sflag:s23] =	dma.local [hbm:s6], s21  }
0x9f: {  	_ =	swait.ge [sflag:s23], s21  }
0xa0: {  	s5 =	ssub.s32 $0x0, s21;
	[sflag:s23] =	ssyncset.done $0x0  }
0xa1: {  	[sflag:s23] =	ssyncadd.s32 s5;
	_ =	sdelay $0x1  }
0xa2: {  	s24 =	simm.s32 $0x1B8B  }
0xa3: {  	_ =	swait.ge [sflag:s24], $0x1  }
0xa4: {  	[sflag:s24] =	ssyncset.done $0x0  }
0xa5: {  	s25 =	simm.s32 $0x1B8E;
	[sflag:s24] =	ssyncadd.s32 $0xFFFFFFFF  }
0xa6: {  	s26 =	simm.s32 $execute0_lowered;
	[smem:$0x3FD2] =	sst s25  }
0xa7: {  	s5 =	sshll.u32 s26, $0x1;
	_ =	strace $0x80000046;
	[dreg:$0x1] =	wrdreg $0xFFFFFFFF  }
0xa8: {  	s28 =	simm.s32 $_size_execute0_lowered;
	s4 =	sadd.s32 s4, s5;
	[dreg:$0x0] =	wrdreg $0x0  }
0xa9: {  	s5 =	sshll.u32 s28, $0x1;
	[dreg:$0x2] =	wrdreg s4  }
0xaa: {  	[dreg:$0x3] =	wrdreg s5  }
0xab: {  	[dreg:$0x4] =	wrdreg $0xC0  }
0xac: {  	_ =	task [dreg:s8], $0x5FFFF  }
0xad: {  	[dreg:$0x1] =	wrdreg $0xFFFFFFFF  }
0xae: {  	[dreg:$0x0] =	wrdreg $0x60  }
0xaf: {  	[dreg:$0x2] =	wrdreg s2  }
0xb0: {  	[dreg:$0x3] =	wrdreg s19  }
0xb1: {  	[dreg:$0x4] =	wrdreg $0x9  }
0xb2: {  	_ =	task.clear_ibuf [dreg:s8], $0x5FFFF;
	_ =	strace $0x90000046  }
0xb3: {  	s29 =	simm.s32 $0x9;
	_ =	strace $0x8000004C  }
0xb4: {  	_ =	swait.ge [sflag:s29], $0x1  }
0xb5: {  	[sflag:s29] =	ssyncadd.s32 $0xFFFFFFFF  }
0xb6: {  	_ =	strace $0x9000004C  }
0xb7: {  	_ =	sfence  }
0xb8: {  	s30 =	sld [smem:$0x0];
	_ =	sdelay $0x2  }
0xb9: {  	s31 =	sshll.u32 s1, $0xD;
	s1 =	sshrl.u32 s1, $0x2  }
0xba: {  	s3 =	sand.u32 $0x4000, s31;
	s1 =	sadd.s32 s1, s30  }
0xbb: {  	s0 =	sor.u32 s3, s0;
	s1 =	sshll.u32 s1, $0x11  }
0xbc: {  	s0 =	sor.u32 s1, s0  }
0xbd: {  	s0 =	sadd.s32 $0x8F2B, s0  }
0xbe: {  	[sflag:s0] =	ssyncadd.remote.s32 $0x1  }
0xbf: {  	_ =	sfence.sel $0xFFFF  }
0xc0: {  	[dreg:$0x0] =	wrdreg $0xFFFFFFFF;
	(pc) =	sbr.abs _section_cstart, $3  }
0xc1: {  	[dreg:$0x1] =	wrdreg $0xFFFFFFFF  }
0xc2: {  	_ =	task.clear_ibuf [dreg:s8], $0x2FFFF;
	_ =	strace $0x9FFFFFFF  }
0xc3: {  	(tm) =	ssettm $0x7FFFFFFF  }
tec
execute0_lowered:
.L_overlay_start_1:
0x0: {  	(tag) =	ssettag $0x1  }
0x1: {  	s1 =	rddreg [dreg:$0x0]  }
0x2: {  	s0 =	srdreg.scid;
	s5 =	rddreg [dreg:$0x1]  }
0x3: {  	s2 =	stileid.u32;
	s3 =	simm.s32 $0x0;
	s6 =	sand.u32 $0x1, s0  }
0x4: {  	s10 =	simm.s32 $0x0;
	s0 =	rddreg [dreg:$0x2];
	s4 =	sshll.u32 s6, $0x4  }
0x5: {  	[smem:$0x7FF] =	sst s3;
	s31 =	sshll.u32 s2, $0x6;
	s4 =	sor.u32 s2, s4  }
0x6: {  	s7 =	ssub.s32 $0x2, s6;
	s6 =	sshll.u32 s6, $0x5;
	s9 =	smul.u32 $0x70000, s4  }
0x7: {  	_ =	strace $0x80000047;
	s8 =	sshrl.u32 s7, $0x1;
	s6 =	sadd.s32 s5, s6  }
0x8: {  	s7 =	ssub.s32 s7, s8;
	s4 =	smul.u32 $0x1C, s4;
	s30 =	sshrl.u32 s9, $0x3  }
0x9: {  	s6 =	sadd.s32 s31, s6;
	s7 =	smax.u32 s7, $0x1;
	s8 =	sadd.s32 s1, s30  }
0xa: {  	v0 =	vimm.f32 $0.0e+00;
	s9 =	simm.s32 $0x1;
	s5 =	sadd.s32 $0x240000, s8;
	s8 =	simm.s32 $0x100  }
.LBB2_1:
0xb: {  	[tilespmem:$0x0] =	vst v0  }
0xc: {  	[tilespmem:$0x80] =	vst v0  }
0xd: {  	s11 =	simm.s32 $0x0;
	s12 =	simm.s32 $0x0;
	_ =	strace $0x80000048  }
0xe: {  	[tilespmem:s8], [sflag:$0x1] =	stream.linear.gather [hbm4b:s5+s3], $0x4000, $0x200038;
	[tilespmem:$0x8100] =	vst v63  }
0xf: {  	s13 =	simm.s32 $0x1;
	s14 =	simm.s32 $0x0;
	_ =	strace $0x90000048  }
.LBB2_2:
0x10: {  	s15 =	smov.u32 s11;
	s11 =	sadd.s32 $0x1, s11  }
0x11: {  	p0 =	seq.s32 s11, $0x1C  }
0x12: {  	s11 =	simm.s32 @p0 $0x0  }
0x13: {  	p6 =	sne.s32 s14, $0x1B;
	p1 =	sne.s32 s15, s11  }
0x14: {  	p0 =	por !p6, !p1  }
0x15: {  	p0 =	por !p0, !p0  }
0x16: {  	s15 =	sadd.s32 @p0 s4, s11  }
0x17: {  	s15 =	sshll.u32 @p0 s15, $0xE  }
0x18: {  	s16 =	sand.u32 @p0 $0x1, s13;
	_ =	strace @p0 $0x80000049;
	s15 =	sadd.s32 @p0 $0x1200000, s15  }
0x19: {  	s18 =	simm.s32 @p0 $0x0;
	s17 =	sshll.u32 @p0 s16, $0xE;
	s15 =	sshrl.u32 @p0 s15, $0x3  }
0x1a: {  	s16 =	sadd.s32 @p0 $0x1, s16;
	s17 =	sor.u32 @p0 $0x100, s17;
	s15 =	sadd.s32 @p0 s1, s15  }
0x1b: {  	[tilespmem:s17], [sflag:s16] =	stream.linear.gather @p0 [hbm4b:s15+s18], $0x4000, $0x200038;
	[tilespmem:$0x8100] =	vst v63  }
0x1c: {  	s24 =	sand.u32 $0x1, s12;
	_ =	strace @p0 $0x90000049  }
0x1d: {  	s15 =	sadd.s32 $0x1, s24;
	_ =	strace $0x8000004A  }
0x1e: {  	s25 =	sshll.u32 s12, $0xE;
	s28 =	simm.s32 $0x0;
	_ =	swait.ge [sflag:s15], $0x4000  }
0x1f: {  	s29 =	simm.s32 $0x0;
	s26 =	sand.u32 $0x4000, s25;
	[sflag:s15] =	ssyncset.done $0x0  }
0x20: {  	s16 =	sand.u32 $0x3C00, s28;
	[sflag:s15] =	ssyncadd.s32 $0xFFFFC000;
	s15 =	sor.u32 $0x100, s26  }
0x21: {  	s17 =	sand.u32 $0x380, s29;
	_ =	strace $0x9000004A;
	s16 =	sadd.s32 s16, s15  }
0x22: {  	_ =	strace $0x8000004B;
	s30 =	sadd.s32 s17, s16  }
0x23: {  	v1 =	vld [tilespmem:s30+$0x0]  }
0x24: {  	v2 =	vld [tilespmem:s30+$0x10]  }
0x25: {  	v3 =	vld [tilespmem:s30+$0x40]  }
0x26: {  	v5 =	vld [tilespmem:s30+$0x50]  }
0x27: {  	s31 =	simm.s32 $0x400;
	v12 =	vld [tilespmem:s30+$0x20]  }
0x28: {  	s17 =	simm.s32 $0x8;
	s16 =	sand.u32 $0x3C00, s31;
	v13 =	vld [tilespmem:s30+$0x30]  }
0x29: {  	v17 =	vimm.f32 $0.0e+00;
	s19 =	sand.u32 $0x380, s17;
	s16 =	sadd.s32 s16, s15;
	v6 =	vld [tilespmem:s30+$0x60];
	v4 =	vmul.f32 v1, v1;
	v8 =	vmul.f32 v2, v2  }
0x2a: {  	v7 =	vld [tilespmem:s30+$0x70];
	s16 =	sadd.s32 s19, s16;
	v9 =	vadd.f32 v1, v17;
	v14 =	vmul.f32 v3, v3;
	v15 =	vadd.f32 v2, v17  }
0x2b: {  	v18 =	vmul.f32 v5, v5;
	v11 =	vadd.f32 v4, v17;
	v4 =	vld [tilespmem:s16+$0x0];
	v16 =	vadd.f32 v8, v17  }
0x2c: {  	v1 =	vld [tilespmem:s16+$0x10];
	v19 =	vmul.f32 v12, v12;
	v10 =	vadd.f32 v3, v9;
	v8 =	vadd.f32 v5, v15  }
0x2d: {  	v2 =	vld [tilespmem:s16+$0x40];
	v20 =	vmul.f32 v13, v13;
	v11 =	vadd.f32 v14, v11;
	v9 =	vadd.f32 v18, v16  }
0x2e: {  	v3 =	vld [tilespmem:s16+$0x50];
	v15 =	vmul.f32 v6, v6;
	v14 =	vadd.f32 v12, v17;
	v12 =	vadd.f32 v19, v17  }
0x2f: {  	s18 =	simm.s32 $0x800;
	v5 =	vld [tilespmem:s16+$0x20];
	v16 =	vadd.f32 v13, v17;
	v13 =	vadd.f32 v20, v17;
	v17 =	vmul.f32 v7, v7  }
.LBB2_3:
0x30: {  	s17 =	sadd.s32 $0x8, s17;
	s19 =	sand.u32 $0x3C00, s18;
	v18 =	vmul.f32 v4, v4;
	v19 =	vld [tilespmem:s16+$0x30];
	v14 =	vadd.f32 v6, v14;
	v12 =	vadd.f32 v15, v12  }
0x31: {  	s20 =	sand.u32 $0x380, s17;
	s19 =	sadd.s32 s19, s15;
	v15 =	vmul.f32 v1, v1;
	v6 =	vld [tilespmem:s16+$0x60];
	v16 =	vadd.f32 v7, v16;
	v13 =	vadd.f32 v17, v13  }
0x32: {  	v10 =	vadd.f32 v4, v10;
	p2 =	slt.u32 s17, $0x3F8;
	v11 =	vadd.f32 v18, v11;
	v17 =	vmul.f32 v2, v2;
	v7 =	vld [tilespmem:s16+$0x70];
	s16 =	sadd.s32 s20, s19  }
.Ltmp0:
0x33: {  	v8 =	vadd.f32 v1, v8;
	v4 =	vld [tilespmem:s16+$0x0];
	v9 =	vadd.f32 v15, v9;
	v15 =	vmul.f32 v3, v3;
	(pc) =	sbr.rel @p2 .LBB2_3-.Ltmp0, $4  }
0x34: {  	v10 =	vadd.f32 v2, v10;
	v1 =	vld [tilespmem:s16+$0x10];
	v18 =	vmul.f32 v5, v5;
	v11 =	vadd.f32 v17, v11  }
0x35: {  	v8 =	vadd.f32 v3, v8;
	v2 =	vld [tilespmem:s16+$0x40];
	v17 =	vmul.f32 v19, v19;
	v9 =	vadd.f32 v15, v9  }
0x36: {  	v14 =	vadd.f32 v5, v14;
	v3 =	vld [tilespmem:s16+$0x50];
	v12 =	vadd.f32 v18, v12;
	v15 =	vmul.f32 v6, v6  }
0x37: {  	s18 =	sadd.s32 $0x400, s18;
	v16 =	vadd.f32 v19, v16;
	v5 =	vld [tilespmem:s16+$0x20];
	v13 =	vadd.f32 v17, v13;
	v17 =	vmul.f32 v7, v7  }
0x38: {  	v6 =	vadd.f32 v6, v14  }
0x39: {  	v47 =	vmul.f32 v4, v4;
	v18 =	vld [tilespmem:s16+$0x30];
	v12 =	vadd.f32 v15, v12;
	v50 =	vadd.f32 v4, v10  }
0x3a: {  	v49 =	vld [tilespmem:s16+$0x60];
	v7 =	vadd.f32 v7, v16;
	v48 =	vmul.f32 v1, v1;
	v13 =	vadd.f32 v17, v13  }
0x3b: {  	v53 =	vld [tilespmem:s16+$0x70];
	v1 =	vadd.f32 v1, v8;
	v51 =	vadd.f32 v47, v11  }
0x3c: {  	v52 =	vmul.f32 v2, v2;
	v2 =	vadd.f32 v2, v50;
	v54 =	vadd.f32 v48, v9  }
0x3d: {  	v55 =	vmul.f32 v3, v3;
	v1 =	vadd.f32 v3, v1;
	v56 =	vmul.f32 v5, v5  }
0x3e: {  	v10 =	vadd.f32 v52, v51;
	v57 =	vadd.f32 v5, v6;
	v3 =	vmul.f32 v18, v18  }
0x3f: {  	v8 =	vadd.f32 v55, v54;
	v58 =	vadd.f32 v18, v7;
	v59 =	vmul.f32 v49, v49  }
0x40: {  	v60 =	vmul.f32 v53, v53;
	v4 =	vadd.f32 v56, v12;
	v3 =	vadd.f32 v3, v13  }
0x41: {  	v5 =	vadd.f32 v49, v57;
	v6 =	vadd.f32 v53, v58  }
0x42: {  	v61 =	vld [tilespmem:$0x0];
	v4 =	vadd.f32 v59, v4;
	v3 =	vadd.f32 v60, v3  }
0x43: {  	v62 =	vld [tilespmem:$0x80];
	v1 =	vadd.f32 v1, v2;
	v2 =	vadd.f32 v6, v5  }
0x44: {  	v63 =	vadd.f32 v8, v10;
	v3 =	vadd.f32 v3, v4  }
0x45: {  	p2 =	seq.s32 s14, $0x1B;
	s15 =	simm.s32 $0x1;
	s14 =	sadd.s32 $0x1, s14;
	v1 =	vadd.f32 v2, v1  }
0x46: {  	s15 =	simm.s32 @!p0 $0x0;
	p0 =	sne.s32 s14, $0x1C;
	v2 =	vadd.f32 v3, v63  }
.Ltmp1:
0x47: {  	v1 =	vadd.f32 v61, v1;
	(pc) =	sbr.rel @p0 .LBB2_2-.Ltmp1, $4  }
0x48: {  	v2 =	vadd.f32 v62, v2  }
0x49: {  	s16 =	simm.s32 $0x1;
	p1 =	por p2, p1;
	[tilespmem:$0x0] =	vst v1  }
0x4a: {  	s16 =	simm.s32 @!p1 $0x0;
	[tilespmem:$0x80] =	vst v2  }
0x4b: {  	s13 =	sadd.s32 s15, s13;
	s12 =	sadd.s32 s16, s12;
	_ =	strace $0x9000004B  }
0x4c: {  	s10 =	sadd.s32 $0x1, s10  }
0x4d: {  	p0 =	sne.s32 s10, s7  }
.Ltmp2:
0x4e: {  	_ = 	snop;
	(pc) =	sbr.rel @p0 .LBB2_1-.Ltmp2, $4  }
0x4f: {  	[hbm4b:s6+s3] =	stream.linear.scatter [tilespmem:s3], [sflag:$0x1], $0x100, $0x38;
	[tilespmem:$0x8100] =	vst v63  }
0x50: {  	_ =	swait.ge [sflag:s9], $0x100  }
0x51: {  	[sflag:s9] =	ssyncset.done $0x0  }
0x52: {  	[sflag:s9] =	ssyncadd.s32 $0xFFFFFF00  }
0x53: {  	_ =	sfence.sel $0x180000  }
0x54: {  	[bflag:$0x0] =	sbarrier.arrive $0xFFFF  }
0x55: {  	p0 =	sne.s32 s2, $0x0;
	_ =	strace $0x90000047  }
0x56: {  	s0 =	sadd.s32 @!p0 $0x100000, s0;
	[bflag:$0x2] =	sbarrier.arrive $0xFFFF  }
0x57: {  	[sflag:s0] =	ssyncadd.tile.s32 @!p0 $0x1;
	_ =	shalt  }
.Lfunc_end2:
_tile_overlayer_lowered:
.L_overlay_start_2:
0x58: {  	(tag) =	ssettag $0x2  }
0x59: {  	s0 =	rddreg [dreg:$0x0];
	s2 =	stileid.u32  }
0x5a: {  	s1 =	rddreg [dreg:$0x1];
	p0 =	sne.s32 s2, $0x0  }
0x5b: {  	s3 =	rddreg [dreg:$0x2];
	[bflag:$0x3] =	sbarrier.arrive $0xFFFF;
	s2 =	simm.s32 @!p0 $0x1C01  }
0x5c: {  	[timem:s3], [sflag:s2] =	dma.local @!p0 [hbm:s0], s1  }
0x5d: {  	s0 =	simm.s32 @!p0 $0x1  }
0x5e: {  	_ =	swait.ge @!p0 [sflag:s0], s1  }
0x5f: {  	s1 =	ssub.s32 @!p0 $0x0, s1;
	[sflag:s0] =	ssyncset.done @!p0 $0x0  }
0x60: {  	[sflag:s0] =	ssyncadd.s32 @!p0 s1  }
0x61: {  	[bflag:$0x3] =	sbarrier.arrive $0xFFFF  }
0x62: {  	_ =	shalt  }

// kernel: kernel.8.cloned.1.call-start
scs
__scs_entry_jumppad:
0x0: {  	(pc) =	sbr.rel $0x88, $3  }
0x1: {  	(tag) =	ssettag $0x0;
	lr =	simm.s32 $0x1  }
0x2: {  	[smem:$0x3FA0] =	sst lr;
	_ =	strace $0xD0000000  }
0x3: {  	_ = 	snop  }
0x4: {  	_ = 	snop  }
0x5: {  	_ = 	snop  }
0x6: {  	_ = 	snop  }
0x7: {  	_ = 	snop  }
__scs_overlays_trampoline_lowered:
0x8: {  	[smem:$0x3FAF] =	sst s0  }
0x9: {  	[smem:$0x3FB0] =	sst s1  }
0xa: {  	[smem:$0x3FB1] =	sst s2  }
0xb: {  	[smem:$0x3FB2] =	sst s3  }
0xc: {  	[smem:$0x3FB3] =	sst s4  }
0xd: {  	[smem:$0x3FB4] =	sst s5  }
0xe: {  	[smem:$0x3FB5] =	sst s6  }
0xf: {  	[smem:$0x3FB6] =	sst s7  }
0x10: {  	[smem:$0x3FB7] =	sst s8  }
0x11: {  	[smem:$0x3FB8] =	sst s9;
	s0 =	simm.s32 @!p0 $0x0  }
0x12: {  	s1 =	sld [smem:$0x3F9E];
	s0 =	simm.s32 @p0 $0x1  }
0x13: {  	[smem:$0x3FB9] =	sst s0;
	s0 =	simm.s32 @!p1 $0x0  }
0x14: {  	s2 =	sld [smem:$0x3F9D];
	s0 =	simm.s32 @p1 $0x1  }
0x15: {  	[smem:$0x3FBA] =	sst s0;
	s0 =	simm.s32 @!p2 $0x0  }
0x16: {  	s3 =	sld [smem:$0x3FDB];
	s0 =	simm.s32 @p2 $0x1  }
0x17: {  	s4 =	simm.s32 $0x1BF5;
	[smem:$0x3FBC] =	sst s0  }
0x18: {  	s0 =	sld [smem:$0x3F9F];
	_ =	swait.ge [sflag:s4], $0x0  }
0x19: {  	s7 =	sld [smem:$0x3FA0]  }
0x1a: {  	s8 =	sadd.s32 $0xFFFFE003, lr  }
0x1b: {  	s9 =	sadd.s32 $0xFFFFFEF7, lr;
	s5 =	simm.s32 $0xFFFFFFFF;
	p2 =	slt.u32 s8, $0xFFFFF086  }
0x1c: {  	p1 =	slt.u32 s9, $0xF7A;
	s5 =	simm.s32 @!p2 $0x0  }
0x1d: {  	s5 =	simm.s32 @p1 $0x1;
	p0 =	seq.s32 s7, s2  }
0x1e: {  	s7 =	smul.u32 @!p0 $0xF7A, s2;
	p2 =	seq.s32 @!p0 s5, $0x0  }
0x1f: {  	s9 =	smul.u32 $0xF7A, s1;
	s8 =	simm.s32 @!p0 $0x1BF5;
	p2 =	por !p2, p0  }
0x20: {  	[sflag:s8] =	ssyncset.s32 @!p0 $0xFFFFF086;
	s6 =	sadd.s32 @!p0 s3, s7;
	s7 =	simm.s32 @!p0 $0x108  }
0x21: {  	s3 =	sadd.s32 s3, s9;
	s6 =	sadd.s32 @!p0 $0x88, s6;
	s7 =	simm.s32 @p2 $0x1082  }
0x22: {  	[simem:s7], [sflag:s8] =	dma.local @!p0 [hbm:s6], $0xF7A  }
0x23: {  	s9 =	sor.u32 $0xD0000000, s2;
	s6 =	simm.s32 $0x108;
	_ =	swait.ge @!p0 [sflag:s8], $0x0  }
0x24: {  	s3 =	sadd.s32 $0x88, s3;
	s6 =	simm.s32 @!p1 $0x1082;
	[sflag:s4] =	ssyncset.s32 $0xFFFFF086  }
0x25: {  	[simem:s6], [sflag:s4] =	dma.local [hbm:s3], $0xF7A  }
0x26: {  	[smem:$0x3FA0] =	sst s1;
	(tag) =	ssettag s2;
	_ =	strace s9  }
0x27: {  	s1 =	sld [smem:$0x3FB0]  }
0x28: {  	s2 =	sld [smem:$0x3FB1]  }
0x29: {  	s4 =	sld [smem:$0x3FB3]  }
0x2a: {  	p0 =	seq.s32 s5, $0x0;
	s5 =	sld [smem:$0x3FB4]  }
0x2b: {  	s6 =	sld [smem:$0x3FB5]  }
0x2c: {  	s7 =	sld [smem:$0x3FB6]  }
0x2d: {  	s3 =	simm.s32 $0x108;
	s8 =	sld [smem:$0x3FB7]  }
0x2e: {  	s3 =	simm.s32 @!p0 $0x1082;
	s9 =	sld [smem:$0x3FB8]  }
0x2f: {  	lr =	sadd.s32 s0, s3;
	s0 =	sld [smem:$0x3FAF]  }
0x30: {  	s3 =	sld [smem:$0x3FB2]  }
0x31: {  	[smem:$0x3FBB] =	sst s10  }
0x32: {  	s10 =	sld [smem:$0x3FB9];
	_ =	sdelay $0x3  }
0x33: {  	p0 =	seq.s32 s10, $0x1;
	s10 =	sld [smem:$0x3FBB];
	_ =	sdelay $0x3  }
0x34: {  	[smem:$0x3FBB] =	sst s10  }
0x35: {  	s10 =	sld [smem:$0x3FBA];
	_ =	sdelay $0x3  }
0x36: {  	p1 =	seq.s32 s10, $0x1;
	s10 =	sld [smem:$0x3FBB];
	_ =	sdelay $0x3  }
0x37: {  	[smem:$0x3FBB] =	sst s10  }
0x38: {  	s10 =	sld [smem:$0x3FBC]  }
0x39: {  	_ = 	snop;
	(pc) =	sbr.ind lr, $3  }
0x3a: {  	_ = 	snop  }
0x3b: {  	_ = 	snop  }
0x3c: {  	p2 =	seq.s32 s10, $0x1;
	s10 =	sld [smem:$0x3FBB]  }
0x3d: {  	_ =	shalt  }
0x3e: {  	_ =	shalt  }
0x3f: {  	_ =	shalt  }
0x40: {  	_ =	shalt  }
0x41: {  	_ =	shalt  }
0x42: {  	_ =	shalt  }
0x43: {  	_ =	shalt  }
0x44: {  	_ =	shalt  }
0x45: {  	_ =	shalt  }
0x46: {  	_ =	shalt  }
0x47: {  	_ =	shalt  }
0x48: {  	_ =	shalt  }
0x49: {  	_ =	shalt  }
0x4a: {  	_ =	shalt  }
0x4b: {  	_ =	shalt  }
0x4c: {  	_ =	shalt  }
0x4d: {  	_ =	shalt  }
0x4e: {  	_ =	shalt  }
0x4f: {  	_ =	shalt  }
0x50: {  	_ =	shalt  }
0x51: {  	_ =	shalt  }
0x52: {  	_ =	shalt  }
0x53: {  	_ =	shalt  }
0x54: {  	_ =	shalt  }
0x55: {  	_ =	shalt  }
0x56: {  	_ =	shalt  }
0x57: {  	_ =	shalt  }
0x58: {  	_ =	shalt  }
0x59: {  	_ =	shalt  }
0x5a: {  	_ =	shalt  }
0x5b: {  	_ =	shalt  }
0x5c: {  	_ =	shalt  }
0x5d: {  	_ =	shalt  }
0x5e: {  	_ =	shalt  }
0x5f: {  	_ =	shalt  }
0x60: {  	_ =	shalt  }
0x61: {  	_ =	shalt  }
0x62: {  	_ =	shalt  }
0x63: {  	_ =	shalt  }
0x64: {  	_ =	shalt  }
0x65: {  	_ =	shalt  }
0x66: {  	_ =	shalt  }
0x67: {  	_ =	shalt  }
0x68: {  	_ =	shalt  }
0x69: {  	_ =	shalt  }
0x6a: {  	_ =	shalt  }
0x6b: {  	_ =	shalt  }
0x6c: {  	_ =	shalt  }
0x6d: {  	_ =	shalt  }
0x6e: {  	_ =	shalt  }
0x6f: {  	_ =	shalt  }
0x70: {  	_ =	shalt  }
0x71: {  	_ =	shalt  }
0x72: {  	_ =	shalt  }
0x73: {  	_ =	shalt  }
0x74: {  	_ =	shalt  }
0x75: {  	_ =	shalt  }
0x76: {  	_ =	shalt  }
0x77: {  	_ =	shalt  }
0x78: {  	_ =	shalt  }
0x79: {  	_ =	shalt  }
0x7a: {  	_ =	shalt  }
0x7b: {  	_ =	shalt  }
0x7c: {  	_ =	shalt  }
0x7d: {  	_ =	shalt  }
0x7e: {  	_ =	shalt  }
0x7f: {  	_ =	shalt  }
0x80: {  	_ =	shalt  }
0x81: {  	_ =	shalt  }
0x82: {  	_ =	shalt  }
0x83: {  	_ =	shalt  }
0x84: {  	_ =	shalt  }
0x85: {  	_ =	shalt  }
0x86: {  	_ =	shalt  }
0x87: {  	_ =	shalt  }
.Lfunc_end0:
.L_simem_size_0:
called_computation.1_lowered:
.L_overlay_start_0:
0x88: {  	s2 =	sld [smem:$0x3FD9]  }
0x89: {  	s3 =	sld [smem:$0x3FFE];
	_ =	sdelay $0x1  }
0x8a: {  	s1 =	srdreg.scid  }
0x8b: {  	s0 =	sand.u32 $0x1, s1  }
0x8c: {  	s17 =	sshll.u32 s0, $0xA;
	s2 =	sadd.s32 s3, s2  }
0x8d: {  	s2 =	sadd.s32 s2, s17  }
0x8e: {  	[smem:$0x3FC7] =	sst s2  }
0x8f: {  	_ = 	snop  }
0x90: {  	s2 =	sld [smem:$0x3FC9]  }
0x91: {  	s18 =	sld [smem:$0x3FD0];
	(tm) =	ssettm $0x1  }
0x92: {  	s4 =	sld [smem:$0x3FFB];
	_ =	sdelay $0x3  }
0x93: {  	_ =	strace s4  }
0x94: {  	s4 =	sld [smem:$0x3FFC];
	_ =	sdelay $0x3  }
0x95: {  	_ =	strace s4  }
0x96: {  	s4 =	sld [smem:$0x3FFD];
	_ =	sdelay $0x3  }
0x97: {  	_ =	strace s4  }
0x98: {  	_ =	strace $0x8FFFFFFF  }
0x99: {  	s19 =	sld [smem:$0x3FDB];
	_ =	sdelay $0x1  }
0x9a: {  	s5 =	simm.s32 $_scs_section_size  }
0x9b: {  	s6 =	simm.s32 $_size__tile_overlayer_lowered;
	s7 =	simm.s32 $_tile_overlayer_lowered  }
0x9c: {  	s22 =	simm.s32 $0x1BFF;
	s21 =	sshll.u32 s7, $0x1;
	s4 =	sadd.s32 s5, s19  }
0x9d: {  	s8 =	simm.s32 $0x0;
	s20 =	sshll.u32 s6, $0x1;
	s6 =	sadd.s32 s21, s4  }
0x9e: {  	[timem:s8], [sflag:s22] =	dma.local [hbm:s6], s20  }
0x9f: {  	_ =	swait.ge [sflag:s22], s20  }
0xa0: {  	s5 =	ssub.s32 $0x0, s20;
	[sflag:s22] =	ssyncset.done $0x0  }
0xa1: {  	[sflag:s22] =	ssyncadd.s32 s5;
	_ =	sdelay $0x1  }
0xa2: {  	s23 =	simm.s32 $0x1B8B  }
0xa3: {  	_ =	swait.ge [sflag:s23], $0x1  }
0xa4: {  	[sflag:s23] =	ssyncset.done $0x0  }
0xa5: {  	s25 =	simm.s32 $0x1B8E;
	s24 =	sld [smem:$0x3FFE];
	[sflag:s23] =	ssyncadd.s32 $0xFFFFFFFF  }
0xa6: {  	s26 =	simm.s32 $execute0_lowered;
	[smem:$0x3FD2] =	sst s25  }
0xa7: {  	s6 =	sshll.u32 s26, $0x1;
	_ =	strace $0x8000004D;
	[dreg:$0x1] =	wrdreg $0xFFFFFFFF  }
0xa8: {  	s28 =	simm.s32 $_size_execute0_lowered;
	s4 =	sadd.s32 s4, s6;
	[dreg:$0x0] =	wrdreg $0x0  }
0xa9: {  	s6 =	sshll.u32 s28, $0x1;
	[dreg:$0x2] =	wrdreg s4  }
0xaa: {  	[dreg:$0x3] =	wrdreg s6  }
0xab: {  	[dreg:$0x4] =	wrdreg $0xC0  }
0xac: {  	_ =	task [dreg:s8], $0x5FFFF  }
0xad: {  	[dreg:$0x1] =	wrdreg $0xFFFFFFFF  }
0xae: {  	[dreg:$0x0] =	wrdreg $0x60  }
0xaf: {  	[dreg:$0x2] =	wrdreg s2  }
0xb0: {  	[dreg:$0x3] =	wrdreg s24  }
0xb1: {  	[dreg:$0x4] =	wrdreg s18  }
0xb2: {  	[dreg:$0x5] =	wrdreg $0x9  }
0xb3: {  	_ =	task.clear_ibuf [dreg:s8], $0x6FFFF;
	_ =	strace $0x9000004D  }
0xb4: {  	s29 =	simm.s32 $0x9;
	_ =	strace $0x80000056  }
0xb5: {  	_ =	swait.ge [sflag:s29], $0x1  }
0xb6: {  	[sflag:s29] =	ssyncadd.s32 $0xFFFFFFFF  }
0xb7: {  	_ =	strace $0x90000056  }
0xb8: {  	_ =	sfence  }
0xb9: {  	s30 =	sld [smem:$0x0];
	_ =	sdelay $0x2  }
0xba: {  	s31 =	sshll.u32 s1, $0xD;
	s1 =	sshrl.u32 s1, $0x2  }
0xbb: {  	s3 =	sand.u32 $0x4000, s31;
	s1 =	sadd.s32 s1, s30  }
0xbc: {  	s0 =	sor.u32 s3, s0;
	s1 =	sshll.u32 s1, $0x11  }
0xbd: {  	s0 =	sor.u32 s1, s0  }
0xbe: {  	s0 =	sadd.s32 $0x8F2B, s0  }
0xbf: {  	[sflag:s0] =	ssyncadd.remote.s32 $0x1  }
0xc0: {  	_ =	sfence.sel $0xFFFF  }
0xc1: {  	[dreg:$0x0] =	wrdreg $0xFFFFFFFF;
	(pc) =	sbr.abs _section_cstart, $3  }
0xc2: {  	[dreg:$0x1] =	wrdreg $0xFFFFFFFF  }
0xc3: {  	_ =	task.clear_ibuf [dreg:s8], $0x2FFFF;
	_ =	strace $0x9FFFFFFF  }
0xc4: {  	(tm) =	ssettm $0x7FFFFFFF  }
0xc5: {  	_ =	shalt  }
tec
execute0_lowered:
.L_overlay_start_1:
0x0: {  	(tag) =	ssettag $0x1  }
0x1: {  	s5 =	rddreg [dreg:$0x0]  }
0x2: {  	s0 =	rddreg [dreg:$0x1];
	s3 =	simm.s32 $0x0;
	s1 =	srdreg.scid  }
0x3: {  	s4 =	stileid.u32;
	[smem:$0x7FF] =	sst s3  }
0x4: {  	s1 =	sand.u32 $0x1, s1;
	s6 =	sadd.s32 $0x800, s0;
	s0 =	sadd.s32 $0x600, s0  }
0x5: {  	_ =	strace $0x8000004E;
	s2 =	sshll.u32 s1, $0x4;
	[dreg:$0x4] =	wrdreg s6  }
0x6: {  	s1 =	ssub.s32 $0x2, s1;
	[dreg:$0x5] =	wrdreg s0;
	s2 =	sor.u32 s4, s2  }
0x7: {  	s29 =	sshrl.u32 s1, $0x1;
	s4 =	sshll.u32 s2, $0x11;
	s30 =	sshll.u32 s2, $0x6  }
0x8: {  	s0 =	ssub.s32 s1, s29;
	[dreg:$0x6] =	wrdreg s30;
	s31 =	sadd.s32 s5, s4  }
0x9: {  	s0 =	smax.u32 s0, $0x1;
	[dreg:$0x7] =	wrdreg s31  }
0xa: {  	s1 =	simm.s32 $0x0;
	[dreg:$0x8] =	wrdreg s0  }
.LBB2_1:
0xb: {  	[dreg:$0x9] =	wrdreg s1  }
0xc: {  	s0 =	rddreg [dreg:$0x4];
	s30 =	simm.s32 $0x1  }
0xd: {  	[tilespmem:s3], [sflag:$0x1] =	stream.linear.gather [hbm4b:s0+s3], $0x8000, $0x38;
	[tilespmem:$0x18400] =	vst v63  }
0xe: {  	_ =	swait.ge [sflag:s30], $0x8000  }
0xf: {  	[sflag:s30] =	ssyncset.done $0x0  }
0x10: {  	s2 =	simm.s32 $0x8000;
	s31 =	rddreg [dreg:$0x5];
	[sflag:s30] =	ssyncadd.s32 $0xFFFF8000  }
0x11: {  	[tilespmem:s2], [sflag:$0x1] =	stream.linear.gather [hbm4b:s31+s3], $0x400, $0x38;
	[tilespmem:$0x18400] =	vst v63  }
0x12: {  	_ =	swait.ge [sflag:s30], $0x400  }
0x13: {  	[sflag:s30] =	ssyncset.done $0x0  }
0x14: {  	[sflag:s30] =	ssyncadd.s32 $0xFFFFFC00  }
0x15: {  	v0 =	vld [tilespmem:$0x8000]  }
0x16: {  	v3 =	vld [tilespmem:$0x8100]  }
0x17: {  	s1 =	simm.s32 $0x40;
	v2 =	vld [tilespmem:$0x8180]  }
0x18: {  	v4 =	vld [tilespmem:s1+$0x30]  }
0x19: {  	v5 =	vld [tilespmem:s1+$0xFFFFFFD0]  }
0x1a: {  	v6 =	vld [tilespmem:s1+$0xFFFFFFE0]  }
0x1b: {  	v7 =	vld [tilespmem:s1+$0xFFFFFFF0]  }
0x1c: {  	v8 =	vld [tilespmem:s1+$0x0]  }
0x1d: {  	v1 =	vld [tilespmem:$0x8080]  }
0x1e: {  	v9 =	vld [tilespmem:s1+$0x10];
	v4 =	vmul.f32 v4, v3  }
0x1f: {  	v10 =	vld [tilespmem:s1+$0x20];
	v5 =	vmul.f32 v5, v3  }
0x20: {  	s0 =	simm.s32 $0xC0;
	v11 =	vld [tilespmem:s1+$0xFFFFFFC0];
	v6 =	vmul.f32 v6, v3;
	v4 =	vadd.f32 v4, v2  }
0x21: {  	v12 =	vld [tilespmem:s0+$0x30];
	v7 =	vmul.f32 v7, v3;
	v8 =	vmul.f32 v8, v3;
	v5 =	vadd.f32 v5, v2  }
0x22: {  	v13 =	vld [tilespmem:s0+$0xFFFFFFD0];
	v14 =	vadd.f32 v6, v2;
	[tilespmem:s1+$0x30] =	vst v4  }
0x23: {  	v15 =	vld [tilespmem:s0+$0xFFFFFFE0];
	v8 =	vadd.f32 v8, v2;
	[tilespmem:s1+$0xFFFFFFD0] =	vst v5;
	v4 =	vadd.f32 v7, v2;
	v7 =	vmul.f32 v9, v3  }
0x24: {  	v6 =	vld [tilespmem:s0+$0xFFFFFFF0];
	[tilespmem:s1+$0xFFFFFFE0] =	vst v14;
	v9 =	vmul.f32 v10, v3  }
0x25: {  	v11 =	vmul.f32 v11, v3;
	v5 =	vld [tilespmem:s0+$0x0];
	[tilespmem:s1+$0x0] =	vst v8;
	v14 =	vadd.f32 v7, v2  }
0x26: {  	v16 =	vmul.f32 v12, v3;
	[tilespmem:s1+$0xFFFFFFF0] =	vst v4;
	v4 =	vld [tilespmem:s0+$0x10];
	v17 =	vadd.f32 v9, v2  }
0x27: {  	v12 =	vadd.f32 v11, v2;
	v10 =	vmul.f32 v13, v3;
	v7 =	vld [tilespmem:s0+$0x20];
	[tilespmem:s1+$0x10] =	vst v14  }
0x28: {  	s4 =	simm.s32 $0x140;
	s2 =	simm.s32 $0x80;
	v11 =	vmul.f32 v15, v3;
	v8 =	vld [tilespmem:s0+$0xFFFFFFC0];
	v9 =	vadd.f32 v16, v2;
	[tilespmem:s1+$0x20] =	vst v17  }
.LBB2_2:
0x29: {  	v13 =	vld [tilespmem:s4+$0x30];
	s2 =	sadd.s32 $0x80, s2;
	v10 =	vadd.f32 v10, v2;
	v6 =	vmul.f32 v6, v3;
	[tilespmem:s1+$0xFFFFFFC0] =	vst v12;
	s1 =	smov.u32 s0;
	s0 =	smov.u32 s4  }
0x2a: {  	v12 =	vld [tilespmem:s4+$0xFFFFFFD0];
	p0 =	slt.u32 s2, $0x7F80;
	v11 =	vadd.f32 v11, v2;
	v5 =	vmul.f32 v5, v3;
	[tilespmem:s1+$0x30] =	vst v9  }
0x2b: {  	v9 =	vld [tilespmem:s4+$0xFFFFFFE0];
	[tilespmem:s1+$0xFFFFFFD0] =	vst v10;
	v10 =	vadd.f32 v6, v2;
	v4 =	vmul.f32 v4, v3  }
.Ltmp0:
0x2c: {  	v6 =	vld [tilespmem:s4+$0xFFFFFFF0];
	[tilespmem:s1+$0xFFFFFFE0] =	vst v11;
	v11 =	vadd.f32 v5, v2;
	v7 =	vmul.f32 v7, v3;
	(pc) =	sbr.rel @p0 .LBB2_2-.Ltmp0, $4  }
0x2d: {  	v5 =	vld [tilespmem:s4+$0x0];
	v8 =	vmul.f32 v8, v3;
	[tilespmem:s1+$0xFFFFFFF0] =	vst v10;
	v14 =	vadd.f32 v4, v2  }
0x2e: {  	v4 =	vld [tilespmem:s4+$0x10];
	v13 =	vmul.f32 v13, v3;
	[tilespmem:s1+$0x0] =	vst v11;
	v15 =	vadd.f32 v7, v2  }
0x2f: {  	v10 =	vmul.f32 v12, v3;
	v7 =	vld [tilespmem:s4+$0x20];
	v12 =	vadd.f32 v8, v2;
	[tilespmem:s1+$0x10] =	vst v14  }
0x30: {  	s4 =	sadd.s32 $0x80, s4;
	v8 =	vld [tilespmem:s0+$0xFFFFFFC0];
	v11 =	vmul.f32 v9, v3;
	v9 =	vadd.f32 v13, v2;
	[tilespmem:s1+$0x20] =	vst v15  }
0x31: {  	v10 =	vadd.f32 v10, v2;
	v6 =	vmul.f32 v6, v3;
	[tilespmem:s1+$0xFFFFFFC0] =	vst v12  }
0x32: {  	v11 =	vadd.f32 v11, v2;
	v5 =	vmul.f32 v5, v3;
	[tilespmem:s0+$0x30] =	vst v9  }
0x33: {  	[tilespmem:s0+$0xFFFFFFD0] =	vst v10;
	v6 =	vadd.f32 v6, v2;
	v4 =	vmul.f32 v4, v3  }
0x34: {  	[tilespmem:s0+$0xFFFFFFE0] =	vst v11;
	v5 =	vadd.f32 v5, v2;
	v7 =	vmul.f32 v7, v3  }
0x35: {  	v3 =	vmul.f32 v8, v3;
	[tilespmem:s0+$0xFFFFFFF0] =	vst v6;
	v4 =	vadd.f32 v4, v2  }
0x36: {  	[tilespmem:s0+$0x0] =	vst v5;
	v63 =	vadd.f32 v7, v2  }
0x37: {  	v2 =	vadd.f32 v3, v2;
	[tilespmem:s0+$0x10] =	vst v4  }
0x38: {  	[tilespmem:s0+$0x20] =	vst v63  }
0x39: {  	s2 =	simm.s32 $0x0;
	s31 =	simm.s32 $0x8400;
	[tilespmem:s0+$0xFFFFFFC0] =	vst v2  }
0x3a: {  	s4 =	simm.s32 $0x1;
	s5 =	simm.s32 $0x0;
	_ =	strace $0x8000004F  }
0x3b: {  	s6 =	simm.s32 $0x0;
	s7 =	simm.s32 $0x0;
	s30 =	rddreg [dreg:$0x7]  }
0x3c: {  	[tilespmem:s31], [sflag:$0x1] =	stream.linear.gather [hbm4b:s30+s2], $0x4000, $0x200038;
	[tilespmem:$0x18400] =	vst v63  }
0x3d: {  	s8 =	simm.s32 $0x0;
	s2 =	simm.s32 $0x0;
	_ =	strace $0x9000004F  }
.LBB2_4:
0x3e: {  	s1 =	sadd.s32 $0x1, s2  }
0x3f: {  	[dreg:$0xc] =	wrdreg s5;
	p0 =	seq.s32 s1, $0x40  }
0x40: {  	[dreg:$0xf] =	wrdreg s8;
	s1 =	simm.s32 @p0 $0x0  }
0x41: {  	p6 =	sne.s32 s8, $0x3F;
	[dreg:$0xa] =	wrdreg s4;
	p1 =	sne.s32 s2, s1  }
0x42: {  	s17 =	rddreg [dreg:$0x6];
	p0 =	por !p6, !p1  }
0x43: {  	s16 =	sshll.u32 s7, $0xE;
	s18 =	sand.u32 $0x1, s7;
	p0 =	por !p0, !p0  }
0x44: {  	[dreg:$0xb] =	wrdreg s1;
	s0 =	sand.u32 @p0 $0x1, s4;
	s1 =	sadd.s32 @p0 s17, s1  }
0x45: {  	_ =	strace @p0 $0x80000050;
	s4 =	sshll.u32 @p0 s0, $0xE;
	s1 =	sshll.u32 @p0 s1, $0xB  }
0x46: {  	s0 =	sadd.s32 @p0 $0x1, s0;
	s5 =	rddreg [dreg:$0x0];
	s1 =	sand.u32 @p0 $0x1FFFF800, s1  }
0x47: {  	s4 =	sor.u32 @p0 $0x8400, s4;
	s1 =	sadd.s32 @p0 s5, s1;
	s5 =	simm.s32 @p0 $0x0  }
0x48: {  	[tilespmem:s4], [sflag:s0] =	stream.linear.gather @p0 [hbm4b:s1+s5], $0x4000, $0x200038;
	[tilespmem:$0x18400] =	vst v63  }
0x49: {  	s0 =	sand.u32 $0x4000, s16;
	_ =	strace @p0 $0x90000050;
	[dreg:$0xe] =	wrdreg s7  }
0x4a: {  	s1 =	sadd.s32 $0x1, s18;
	s0 =	sor.u32 $0x8400, s0;
	_ =	strace $0x80000051  }
0x4b: {  	v3 =	vmov s0;
	_ =	swait.ge [sflag:s1], $0x4000  }
0x4c: {  	[sflag:s1] =	ssyncset.done $0x0  }
0x4d: {  	s19 =	simm.s32 $0x0;
	s20 =	simm.s32 $0x0;
	[sflag:s1] =	ssyncadd.s32 $0xFFFFC000  }
0x4e: {  	s0 =	sand.u32 $0x380, s19;
	s1 =	sand.u32 $0x3C00, s20;
	_ =	strace $0x90000051  }
0x4f: {  	s12 =	sand.u32 $0x1, s6;
	s15 =	sor.u32 s0, s1;
	_ =	strace $0x80000052  }
0x50: {  	s14 =	simm.s32 $0x8;
	s18 =	simm.s32 $0x400;
	s16 =	sor.u32 $0x40, s15;
	v2 =	vld.idx.msk [tilespmem:v3+s15+$0x0 ss:$0x1], $0xffff  }
0x51: {  	s0 =	sshll.u32 s12, $0xE;
	s1 =	sand.u32 $0x3C00, s18;
	s21 =	sor.u32 $0x50, s15;
	v4 =	vld.idx.msk [tilespmem:v3+s16+$0x0 ss:$0x1], $0xffff  }
0x52: {  	s28 =	sor.u32 $0x60, s15;
	s24 =	sor.u32 $0x30, s15;
	v5 =	vld.idx.msk [tilespmem:v3+s21+$0x0 ss:$0x1], $0xffff;
	[dreg:$0xd] =	wrdreg s6  }
0x53: {  	s13 =	sor.u32 $0x10400, s0;
	s0 =	sand.u32 $0x380, s14;
	v6 =	vld.idx.msk [tilespmem:v3+s28+$0x0 ss:$0x1], $0xffff;
	[dreg:$0x10] =	wrdreg s12  }
0x54: {  	s22 =	simm.s32 $0x10;
	s29 =	sor.u32 $0x70, s15;
	s25 =	sor.u32 s0, s1;
	v7 =	vld.idx.msk [tilespmem:v3+s24+$0x0 ss:$0x1], $0xffff  }
0x55: {  	s23 =	simm.s32 $0x800;
	s26 =	sor.u32 $0x40, s25;
	v9 =	vld.idx.msk [tilespmem:v3+s29+$0x0 ss:$0x1], $0xffff;
	[dreg:$0x11] =	wrdreg s13  }
0x56: {  	s19 =	sand.u32 $0x380, s22;
	s20 =	sand.u32 $0x3C00, s23;
	s0 =	sor.u32 $0x60, s25;
	v12 =	vld.idx.msk [tilespmem:v3+s26+$0x0 ss:$0x1], $0xffff  }
0x57: {  	s8 =	sor.u32 s19, s20;
	v15 =	vld.idx.msk [tilespmem:v3+s0+$0x0 ss:$0x1], $0xffff  }
0x58: {  	v21 =	vld.idx.msk [tilespmem:v3+s8+$0x0 ss:$0x1], $0xffff;
	v2 =	vmul.f32 v2, v0  }
0x59: {  	v4 =	vmul.f32 v4, v0  }
0x5a: {  	v5 =	vmul.f32 v5, v0;
	v6 =	vmul.f32 v6, v0;
	v8 =	vadd.f32 v2, v1  }
0x5b: {  	v4 =	vadd.f32 v4, v1;
	v2 =	vmov s13;
	v7 =	vmul.f32 v7, v0  }
0x5c: {  	v5 =	vadd.f32 v5, v1;
	v9 =	vmul.f32 v9, v0;
	v12 =	vmul.f32 v12, v0  }
0x5d: {  	s12 =	sor.u32 $0x20, s15;
	v6 =	vadd.f32 v6, v1;
	v15 =	vmul.f32 v15, v0;
	v21 =	vmul.f32 v21, v0  }
0x5e: {  	v10 =	vld.idx.msk [tilespmem:v3+s12+$0x0 ss:$0x1], $0xffff;
	v8 =	vmax.f32 v8, $0.0e+00;
	v4 =	vmax.f32 v4, $0.0e+00;
	v7 =	vadd.f32 v7, v1  }
0x5f: {  	v11 =	vld.idx.msk [tilespmem:v3+s25+$0x0 ss:$0x1], $0xffff;
	v5 =	vmax.f32 v5, $0.0e+00;
	v9 =	vadd.f32 v9, v1;
	v4 =	vmin.f32 v4, $3.276700000e+04  }
0x60: {  	v8 =	vmin.f32 v8, $3.276700000e+04;
	v6 =	vmax.f32 v6, $0.0e+00;
	v5 =	vmin.f32 v5, $3.276700000e+04  }
0x61: {  	v12 =	vadd.f32 v12, v1;
	v4 =	vtrunc.f32 v4;
	v8 =	vtrunc.f32 v8  }
0x62: {  	v7 =	vmax.f32 v7, $0.0e+00;
	v5 =	vtrunc.f32 v5;
	v9 =	vmax.f32 v9, $0.0e+00  }
0x63: {  	s5 =	sor.u32 $0x10, s15;
	v6 =	vmin.f32 v6, $3.276700000e+04;
	v13 =	vcvt.f32.s32 v4;
	v4 =	vmul.f32 v10, v0  }
0x64: {  	s4 =	sor.u32 $0x50, s25;
	v8 =	vcvt.f32.s32 v8;
	v10 =	vmul.f32 v11, v0;
	v11 =	vld.idx.msk [tilespmem:v3+s5+$0x0 ss:$0x1], $0xffff;
	v9 =	vmin.f32 v9, $3.276700000e+04  }
0x65: {  	s30 =	sor.u32 $0x30, s25;
	v14 =	vld.idx.msk [tilespmem:v3+s4+$0x0 ss:$0x1], $0xffff;
	v18 =	vcvt.f32.s32 v5;
	v12 =	vmax.f32 v12, $0.0e+00;
	v4 =	vadd.f32 v4, v1  }
0x66: {  	s6 =	sor.u32 $0x20, s25;
	v16 =	vld.idx.msk [tilespmem:v3+s30+$0x0 ss:$0x1], $0xffff;
	v7 =	vmin.f32 v7, $3.276700000e+04;
	v6 =	vtrunc.f32 v6;
	v12 =	vmin.f32 v12, $3.276700000e+04  }
0x67: {  	s9 =	sor.u32 $0x40, s8;
	v19 =	vld.idx.msk [tilespmem:v3+s6+$0x0 ss:$0x1], $0xffff;
	v20 =	vcvt.f32.s32 v6;
	v10 =	vadd.f32 v10, v1;
	v4 =	vmax.f32 v4, $0.0e+00  }
0x68: {  	s11 =	sor.u32 $0x70, s25;
	v25 =	vld.idx.msk [tilespmem:v3+s9+$0x0 ss:$0x1], $0xffff;
	v23 =	vtrunc.f32 v7;
	v12 =	vtrunc.f32 v12;
	v17 =	vmin.f32 v4, $3.276700000e+04  }
0x69: {  	s31 =	sor.u32 $0x10, s25;
	v5 =	vmax.f32 v10, $0.0e+00;
	v11 =	vmul.f32 v11, v0;
	v10 =	vtrunc.f32 v17;
	v17 =	vld.idx.msk [tilespmem:v3+s11+$0x0 ss:$0x1], $0xffff  }
0x6a: {  	v4 =	vld.idx.msk [tilespmem:v3+s31+$0x0 ss:$0x1], $0xffff;
	v6 =	vmin.f32 v5, $3.276700000e+04;
	v5 =	vmul.f32 v14, v0;
	v14 =	vtrunc.f32 v9  }
0x6b: {  	v21 =	vadd.f32 v21, v1;
	v9 =	vmul.f32 v16, v0;
	v13 =	vld.idx.msk [tilespmem:v13+s3+$0x0], $0xffff;
	v26 =	vcvt.f32.s32 v14  }
0x6c: {  	v7 =	vadd.f32 v15, v1;
	v22 =	vld.idx.msk [tilespmem:v8+s3+$0x0], $0xffff;
	v6 =	vtrunc.f32 v6;
	v10 =	vcvt.f32.s32 v10  }
0x6d: {  	s14 =	sor.u32 $0x60, s8;
	v15 =	vld.idx.msk [tilespmem:v18+s3+$0x0], $0xffff;
	v11 =	vadd.f32 v11, v1;
	v16 =	vadd.f32 v5, v1;
	v5 =	vcvt.f32.s32 v12  }
0x6e: {  	s1 =	sor.u32 $0x30, s8;
	v8 =	vld.idx.msk [tilespmem:v3+s14+$0x0 ss:$0x1], $0xffff;
	v24 =	vadd.f32 v9, v1;
	v12 =	vmul.f32 v19, v0;
	v17 =	vmul.f32 v17, v0  }
0x6f: {  	s13 =	sor.u32 $0x50, s8;
	v14 =	vld.idx.msk [tilespmem:v3+s1+$0x0 ss:$0x1], $0xffff;
	v19 =	vmax.f32 v7, $0.0e+00;
	v6 =	vcvt.f32.s32 v6;
	v11 =	vmax.f32 v11, $0.0e+00  }
0x70: {  	s10 =	sor.u32 $0x10, s8;
	v9 =	vld.idx.msk [tilespmem:v3+s13+$0x0 ss:$0x1], $0xffff;
	v16 =	vmax.f32 v16, $0.0e+00;
	v11 =	vmin.f32 v11, $3.276700000e+04;
	v17 =	vadd.f32 v17, v1  }
0x71: {  	v7 =	vld.idx.msk [tilespmem:v3+s10+$0x0 ss:$0x1], $0xffff;
	v27 =	vadd.f32 v12, v1;
	v16 =	vmin.f32 v16, $3.276700000e+04;
	v11 =	vtrunc.f32 v11;
	[tilespmem:v2+s16+$0x0 ss:$0x1] =	vst.idx.msk $0xffff, v13  }
0x72: {  	v12 =	vld.idx.msk [tilespmem:v20+s3+$0x0], $0xffff;
	v63 =	vtrunc.f32 v16;
	[tilespmem:v2+s15+$0x0 ss:$0x1] =	vst.idx.msk $0xffff, v22;
	v28 =	vmax.f32 v17, $0.0e+00;
	v17 =	vcvt.f32.s32 v23  }
0x73: {  	v18 =	vmax.f32 v24, $0.0e+00;
	[tilespmem:v2+s21+$0x0 ss:$0x1] =	vst.idx.msk $0xffff, v15;
	s21 =	sadd.s32 s17, s2;
	v16 =	vcvt.f32.s32 v11;
	v13 =	vld.idx.msk [tilespmem:v10+s3+$0x0], $0xffff;
	v23 =	vmul.f32 v25, v0  }
0x74: {  	v20 =	vmin.f32 v19, $3.276700000e+04;
	s15 =	sor.u32 $0x70, s8;
	v11 =	vmax.f32 v27, $0.0e+00;
	v10 =	vld.idx.msk [tilespmem:v26+s3+$0x0], $0xffff;
	[dreg:$0x12] =	wrdreg s21;
	v19 =	vmin.f32 v28, $3.276700000e+04  }
0x75: {  	s7 =	sor.u32 $0x20, s8;
	v15 =	vld.idx.msk [tilespmem:v3+s15+$0x0 ss:$0x1], $0xffff;
	v22 =	vadd.f32 v23, v1;
	v23 =	vmin.f32 v11, $3.276700000e+04;
	v11 =	vcvt.f32.s32 v63  }
.LBB2_5:
0x76: {  	s22 =	sadd.s32 $0x8, s22;
	v21 =	vmax.f32 v21, $0.0e+00;
	s23 =	sadd.s32 $0x400, s23;
	v23 =	vtrunc.f32 v23;
	v18 =	vmin.f32 v18, $3.276700000e+04;
	v24 =	vld.idx.msk [tilespmem:v5+s3+$0x0], $0xffff  }
0x77: {  	v20 =	vtrunc.f32 v20;
	s2 =	sand.u32 $0x380, s22;
	s16 =	sand.u32 $0x3C00, s23;
	p2 =	slt.u32 s22, $0x3F8;
	v25 =	vld.idx.msk [tilespmem:v3+s7+$0x0 ss:$0x1], $0xffff;
	v5 =	vmax.f32 v22, $0.0e+00;
	v22 =	vcvt.f32.s32 v23;
	[tilespmem:v2+s28+$0x0 ss:$0x1] =	vst.idx.msk $0xffff, v12  }
0x78: {  	v12 =	vmul.f32 v4, v0;
	v20 =	vcvt.f32.s32 v20;
	v4 =	vmovc v7;
	s28 =	smov.u32 s0;
	s0 =	smov.u32 s14;
	s16 =	sor.u32 s2, s16;
	v5 =	vmin.f32 v5, $3.276700000e+04;
	v17 =	vld.idx.msk [tilespmem:v17+s3+$0x0], $0xffff  }
0x79: {  	v9 =	vmul.f32 v9, v0;
	v19 =	vtrunc.f32 v19;
	v7 =	vmin.f32 v21, $3.276700000e+04;
	s19 =	sor.u32 $0x10, s16;
	s18 =	sor.u32 $0x40, s16;
	s2 =	sor.u32 $0x50, s16;
	v16 =	vld.idx.msk [tilespmem:v16+s3+$0x0], $0xffff;
	[tilespmem:v2+s12+$0x0 ss:$0x1] =	vst.idx.msk $0xffff, v13  }
0x7a: {  	v8 =	vmul.f32 v8, v0;
	v14 =	vmul.f32 v14, v0;
	s17 =	sor.u32 $0x20, s16;
	s14 =	sor.u32 $0x60, s16;
	s20 =	sor.u32 $0x70, s16;
	v12 =	vadd.f32 v12, v1;
	v13 =	vld.idx.msk [tilespmem:v3+s16+$0x0 ss:$0x1], $0xffff  }
0x7b: {  	v26 =	vtrunc.f32 v18;
	v21 =	vadd.f32 v9, v1;
	s21 =	sor.u32 $0x30, s16;
	v5 =	vtrunc.f32 v5;
	s12 =	smov.u32 s6;
	s6 =	smov.u32 s7;
	v23 =	vld.idx.msk [tilespmem:v6+s3+$0x0], $0xffff;
	[tilespmem:v2+s29+$0x0 ss:$0x1] =	vst.idx.msk $0xffff, v10  }
0x7c: {  	v5 =	vcvt.f32.s32 v5;
	s7 =	smov.u32 s17;
	v10 =	vadd.f32 v14, v1;
	v6 =	vadd.f32 v8, v1;
	s29 =	smov.u32 s11;
	s11 =	smov.u32 s15;
	v11 =	vld.idx.msk [tilespmem:v11+s3+$0x0], $0xffff  }
0x7d: {  	v15 =	vmul.f32 v15, v0;
	v12 =	vmax.f32 v12, $0.0e+00;
	s15 =	smov.u32 s20;
	v14 =	vmul.f32 v25, v0;
	v27 =	vld.idx.msk [tilespmem:v3+s18+$0x0 ss:$0x1], $0xffff  }
0x7e: {  	v28 =	vcvt.f32.s32 v19;
	v18 =	vmax.f32 v21, $0.0e+00;
	v25 =	vmax.f32 v6, $0.0e+00;
	v9 =	vld.idx.msk [tilespmem:v3+s2+$0x0 ss:$0x1], $0xffff;
	[tilespmem:v2+s24+$0x0 ss:$0x1] =	vst.idx.msk $0xffff, v17;
	s24 =	smov.u32 s30;
	s30 =	smov.u32 s1;
	s1 =	smov.u32 s21  }
0x7f: {  	v15 =	vadd.f32 v15, v1;
	v12 =	vmin.f32 v12, $3.276700000e+04;
	v6 =	vtrunc.f32 v7;
	v8 =	vld.idx.msk [tilespmem:v3+s14+$0x0 ss:$0x1], $0xffff;
	[tilespmem:v2+s5+$0x0 ss:$0x1] =	vst.idx.msk $0xffff, v16;
	s5 =	smov.u32 s31;
	s31 =	smov.u32 s10;
	s10 =	smov.u32 s19  }
0x80: {  	v6 =	vcvt.f32.s32 v6;
	v19 =	vadd.f32 v14, v1;
	v16 =	vmin.f32 v18, $3.276700000e+04;
	v7 =	vld.idx.msk [tilespmem:v3+s10+$0x0 ss:$0x1], $0xffff;
	[tilespmem:v2+s26+$0x0 ss:$0x1] =	vst.idx.msk $0xffff, v24;
	s26 =	smov.u32 s9;
	s9 =	smov.u32 s18  }
.Ltmp1:
0x81: {  	v13 =	vmul.f32 v13, v0;
	v18 =	vmax.f32 v10, $0.0e+00;
	v10 =	vtrunc.f32 v12;
	[tilespmem:v2+s25+$0x0 ss:$0x1] =	vst.idx.msk $0xffff, v23;
	v12 =	vld.idx.msk [tilespmem:v20+s3+$0x0], $0xffff;
	s25 =	smov.u32 s8;
	s8 =	smov.u32 s16;
	(pc) =	sbr.rel @p2 .LBB2_5-.Ltmp1, $4  }
0x82: {  	v15 =	vmax.f32 v15, $0.0e+00;
	v17 =	vcvt.f32.s32 v26;
	v24 =	vtrunc.f32 v16;
	v14 =	vld.idx.msk [tilespmem:v3+s1+$0x0 ss:$0x1], $0xffff;
	[tilespmem:v2+s4+$0x0 ss:$0x1] =	vst.idx.msk $0xffff, v11;
	s4 =	smov.u32 s13;
	s13 =	smov.u32 s2  }
0x83: {  	v16 =	vcvt.f32.s32 v10;
	v21 =	vadd.f32 v13, v1;
	v11 =	vmul.f32 v27, v0;
	v13 =	vld.idx.msk [tilespmem:v22+s3+$0x0], $0xffff  }
0x84: {  	v23 =	vmax.f32 v19, $0.0e+00;
	v20 =	vmin.f32 v25, $3.276700000e+04;
	v19 =	vmin.f32 v15, $3.276700000e+04;
	v10 =	vld.idx.msk [tilespmem:v28+s3+$0x0], $0xffff  }
0x85: {  	v23 =	vmin.f32 v23, $3.276700000e+04;
	v22 =	vadd.f32 v11, v1;
	v11 =	vcvt.f32.s32 v24;
	v15 =	vld.idx.msk [tilespmem:v3+s15+$0x0 ss:$0x1], $0xffff  }
0x86: {  	v23 =	vtrunc.f32 v23;
	v20 =	vtrunc.f32 v20  }
0x87: {  	v4 =	vmul.f32 v4, v0;
	v9 =	vmul.f32 v9, v0  }
0x88: {  	v21 =	vmax.f32 v21, $0.0e+00;
	v19 =	vtrunc.f32 v19;
	v8 =	vmul.f32 v8, v0  }
0x89: {  	v18 =	vmin.f32 v18, $3.276700000e+04;
	v7 =	vmul.f32 v7, v0;
	v23 =	vcvt.f32.s32 v23  }
0x8a: {  	v22 =	vmax.f32 v22, $0.0e+00;
	v20 =	vcvt.f32.s32 v20;
	v14 =	vmul.f32 v14, v0  }
0x8b: {  	v21 =	vmin.f32 v21, $3.276700000e+04;
	v18 =	vtrunc.f32 v18;
	v19 =	vcvt.f32.s32 v19  }
0x8c: {  	v3 =	vld.idx.msk [tilespmem:v3+s7+$0x0 ss:$0x1], $0xffff;
	v22 =	vmin.f32 v22, $3.276700000e+04;
	v4 =	vadd.f32 v4, v1;
	v9 =	vadd.f32 v9, v1  }
0x8d: {  	v8 =	vadd.f32 v8, v1;
	v21 =	vtrunc.f32 v21;
	v48 =	vcvt.f32.s32 v18  }
0x8e: {  	v7 =	vadd.f32 v7, v1;
	v22 =	vtrunc.f32 v22;
	v21 =	vcvt.f32.s32 v21  }
0x8f: {  	v17 =	vld.idx.msk [tilespmem:v17+s3+$0x0], $0xffff;
	v14 =	vadd.f32 v14, v1;
	v22 =	vcvt.f32.s32 v22;
	v15 =	vmul.f32 v15, v0  }
0x90: {  	v16 =	vld.idx.msk [tilespmem:v16+s3+$0x0], $0xffff;
	v4 =	vmax.f32 v4, $0.0e+00;
	v9 =	vmax.f32 v9, $0.0e+00;
	v8 =	vmax.f32 v8, $0.0e+00  }
0x91: {  	[tilespmem:v2+s28+$0x0 ss:$0x1] =	vst.idx.msk $0xffff, v12;
	v5 =	vld.idx.msk [tilespmem:v5+s3+$0x0], $0xffff;
	v3 =	vmul.f32 v3, v0;
	v4 =	vmin.f32 v4, $3.276700000e+04;
	v9 =	vmin.f32 v9, $3.276700000e+04  }
0x92: {  	v6 =	vld.idx.msk [tilespmem:v6+s3+$0x0], $0xffff;
	[tilespmem:v2+s12+$0x0 ss:$0x1] =	vst.idx.msk $0xffff, v13;
	v49 =	vmax.f32 v14, $0.0e+00;
	v8 =	vmin.f32 v8, $3.276700000e+04;
	v4 =	vtrunc.f32 v4  }
0x93: {  	v50 =	vld.idx.msk [tilespmem:v11+s3+$0x0], $0xffff;
	[tilespmem:v2+s29+$0x0 ss:$0x1] =	vst.idx.msk $0xffff, v10;
	v15 =	vadd.f32 v15, v1;
	v9 =	vtrunc.f32 v9;
	v8 =	vtrunc.f32 v8  }
0x94: {  	[tilespmem:v2+s24+$0x0 ss:$0x1] =	vst.idx.msk $0xffff, v17;
	v13 =	vmin.f32 v49, $3.276700000e+04;
	v3 =	vadd.f32 v3, v1;
	v4 =	vcvt.f32.s32 v4;
	v52 =	vld.idx.msk [tilespmem:v20+s3+$0x0], $0xffff  }
0x95: {  	[tilespmem:v2+s5+$0x0 ss:$0x1] =	vst.idx.msk $0xffff, v16;
	v53 =	vld.idx.msk [tilespmem:v23+s3+$0x0], $0xffff;
	v9 =	vcvt.f32.s32 v9;
	v8 =	vcvt.f32.s32 v8;
	v51 =	vmax.f32 v15, $0.0e+00  }
0x96: {  	[tilespmem:v2+s26+$0x0 ss:$0x1] =	vst.idx.msk $0xffff, v5;
	v54 =	vld.idx.msk [tilespmem:v19+s3+$0x0], $0xffff;
	v56 =	vtrunc.f32 v13;
	v3 =	vmax.f32 v3, $0.0e+00;
	v11 =	vmin.f32 v51, $3.276700000e+04  }
0x97: {  	[tilespmem:v2+s25+$0x0 ss:$0x1] =	vst.idx.msk $0xffff, v6;
	v55 =	vld.idx.msk [tilespmem:v48+s3+$0x0], $0xffff;
	v10 =	vcvt.f32.s32 v56;
	v3 =	vmin.f32 v3, $3.276700000e+04;
	v11 =	vtrunc.f32 v11  }
0x98: {  	v7 =	vmax.f32 v7, $0.0e+00;
	[tilespmem:v2+s4+$0x0 ss:$0x1] =	vst.idx.msk $0xffff, v50;
	v58 =	vld.idx.msk [tilespmem:v21+s3+$0x0], $0xffff;
	v3 =	vtrunc.f32 v3;
	v11 =	vcvt.f32.s32 v11  }
0x99: {  	v7 =	vmin.f32 v7, $3.276700000e+04;
	v57 =	vld.idx.msk [tilespmem:v22+s3+$0x0], $0xffff;
	v3 =	vcvt.f32.s32 v3;
	[tilespmem:v2+s0+$0x0 ss:$0x1] =	vst.idx.msk $0xffff, v52  }
0x9a: {  	v7 =	vtrunc.f32 v7;
	[tilespmem:v2+s6+$0x0 ss:$0x1] =	vst.idx.msk $0xffff, v53;
	v4 =	vld.idx.msk [tilespmem:v4+s3+$0x0], $0xffff  }
0x9b: {  	v7 =	vcvt.f32.s32 v7;
	[tilespmem:v2+s11+$0x0 ss:$0x1] =	vst.idx.msk $0xffff, v54;
	v59 =	vld.idx.msk [tilespmem:v9+s3+$0x0], $0xffff  }
0x9c: {  	[tilespmem:v2+s30+$0x0 ss:$0x1] =	vst.idx.msk $0xffff, v55;
	v60 =	vld.idx.msk [tilespmem:v8+s3+$0x0], $0xffff  }
0x9d: {  	[tilespmem:v2+s8+$0x0 ss:$0x1] =	vst.idx.msk $0xffff, v58;
	v62 =	vld.idx.msk [tilespmem:v10+s3+$0x0], $0xffff  }
0x9e: {  	[tilespmem:v2+s9+$0x0 ss:$0x1] =	vst.idx.msk $0xffff, v57;
	v61 =	vld.idx.msk [tilespmem:v11+s3+$0x0], $0xffff  }
0x9f: {  	[tilespmem:v2+s31+$0x0 ss:$0x1] =	vst.idx.msk $0xffff, v4;
	v3 =	vld.idx.msk [tilespmem:v3+s3+$0x0], $0xffff  }
0xa0: {  	[tilespmem:v2+s13+$0x0 ss:$0x1] =	vst.idx.msk $0xffff, v59  }
0xa1: {  	v63 =	vld.idx.msk [tilespmem:v7+s3+$0x0], $0xffff;
	[tilespmem:v2+s14+$0x0 ss:$0x1] =	vst.idx.msk $0xffff, v60  }
0xa2: {  	[tilespmem:v2+s1+$0x0 ss:$0x1] =	vst.idx.msk $0xffff, v62  }
0xa3: {  	[tilespmem:v2+s15+$0x0 ss:$0x1] =	vst.idx.msk $0xffff, v61  }
0xa4: {  	[tilespmem:v2+s7+$0x0 ss:$0x1] =	vst.idx.msk $0xffff, v3  }
0xa5: {  	s8 =	rddreg [dreg:$0xf]  }
0xa6: {  	[tilespmem:v2+s10+$0x0 ss:$0x1] =	vst.idx.msk $0xffff, v63;
	p2 =	seq.s32 s8, $0x3F  }
0xa7: {  	_ =	strace $0x90000052;
	p1 =	por p2, p1  }
0xa8: {  	s0 =	rddreg [dreg:$0x12];
	_ =	strace @p1 $0x80000053  }
0xa9: {  	s1 =	rddreg [dreg:$0x10]  }
0xaa: {  	s0 =	sshll.u32 @p1 s0, $0xB;
	s2 =	rddreg [dreg:$0x2]  }
0xab: {  	s0 =	sand.u32 @p1 $0x1FFFF800, s0;
	s4 =	rddreg [dreg:$0x11]  }
0xac: {  	s1 =	sadd.s32 @p1 $0x3, s1;
	s0 =	sadd.s32 @p1 s2, s0;
	s2 =	simm.s32 @p1 $0x0  }
0xad: {  	[hbm4b:s0+s2] =	stream.linear.scatter @p1 [tilespmem:s4], [sflag:s1], $0x4000, $0x200038;
	[tilespmem:$0x18400] =	vst v63  }
0xae: {  	_ =	strace @p1 $0x90000053  }
0xaf: {  	p2 =	seq.s32 s8, $0x0;
	s5 =	rddreg [dreg:$0xc]  }
0xb0: {  	s0 =	sand.u32 @!p2 $0x1, s5  }
0xb1: {  	_ =	strace @!p2 $0x80000054;
	s0 =	sadd.s32 @!p2 $0x3, s0  }
0xb2: {  	s1 =	simm.s32 $0x1;
	_ =	swait.ge @!p2 [sflag:s0], $0x4000  }
0xb3: {  	s1 =	simm.s32 @!p0 $0x0;
	p0 =	sne.s32 s8, $0x0;
	[sflag:s0] =	ssyncset.done @!p2 $0x0  }
0xb4: {  	s8 =	sadd.s32 $0x1, s8;
	[sflag:s0] =	ssyncadd.s32 @!p2 $0xFFFFC000;
	s0 =	simm.s32 $0x1  }
0xb5: {  	s0 =	simm.s32 @!p0 $0x0;
	p0 =	sne.s32 s8, $0x40  }
.Ltmp2:
0xb6: {  	s29 =	rddreg [dreg:$0xa];
	(pc) =	sbr.rel @p0 .LBB2_4-.Ltmp2, $4  }
0xb7: {  	s30 =	rddreg [dreg:$0xd]  }
0xb8: {  	s31 =	rddreg [dreg:$0xe];
	s4 =	sadd.s32 s1, s29;
	s1 =	simm.s32 $0x1  }
0xb9: {  	s1 =	simm.s32 @!p1 $0x0;
	_ =	strace @!p2 $0x90000054;
	s5 =	sadd.s32 s0, s5  }
0xba: {  	s6 =	sadd.s32 s1, s30;
	s7 =	sadd.s32 s1, s31;
	s2 =	rddreg [dreg:$0xb]  }
0xbb: {  	_ =	strace $0x80000055;
	s0 =	simm.s32 $0x4  }
0xbc: {  	_ =	swait.ge [sflag:s0], $0x4000  }
0xbd: {  	s1 =	rddreg [dreg:$0x9]  }
0xbe: {  	s31 =	rddreg [dreg:$0x8];
	s1 =	sadd.s32 $0x1, s1  }
0xbf: {  	p0 =	sne.s32 s1, s31  }
.Ltmp3:
0xc0: {  	_ = 	snop;
	(pc) =	sbr.rel @p0 .LBB2_1-.Ltmp3, $4  }
0xc1: {  	_ = 	snop  }
0xc2: {  	[sflag:s0] =	ssyncset.done $0x0  }
0xc3: {  	[sflag:s0] =	ssyncadd.s32 $0xFFFFC000  }
0xc4: {  	_ =	strace $0x90000055  }
0xc5: {  	_ =	sfence.sel $0x180000  }
0xc6: {  	[bflag:$0x0] =	sbarrier.arrive $0xFFFF  }
0xc7: {  	_ =	strace $0x9000004E  }
0xc8: {  	s0 =	stileid.u32;
	[bflag:$0x2] =	sbarrier.arrive $0xFFFF  }
0xc9: {  	p0 =	sne.s32 s0, $0x0;
	s0 =	rddreg [dreg:$0x3]  }
0xca: {  	s0 =	sadd.s32 @!p0 $0x100000, s0  }
0xcb: {  	[sflag:s0] =	ssyncadd.tile.s32 @!p0 $0x1;
	_ =	shalt  }
.Lfunc_end2:
_tile_overlayer_lowered:
.L_overlay_start_2:
0xcc: {  	(tag) =	ssettag $0x2  }
0xcd: {  	s0 =	rddreg [dreg:$0x0];
	s2 =	stileid.u32  }
0xce: {  	s1 =	rddreg [dreg:$0x1];
	p0 =	sne.s32 s2, $0x0  }
0xcf: {  	s3 =	rddreg [dreg:$0x2];
	[bflag:$0x3] =	sbarrier.arrive $0xFFFF;
	s2 =	simm.s32 @!p0 $0x1C01  }
0xd0: {  	[timem:s3], [sflag:s2] =	dma.local @!p0 [hbm:s0], s1  }
0xd1: {  	s0 =	simm.s32 @!p0 $0x1  }
0xd2: {  	_ =	swait.ge @!p0 [sflag:s0], s1  }
0xd3: {  	s1 =	ssub.s32 @!p0 $0x0, s1;
	[sflag:s0] =	ssyncset.done @!p0 $0x0  }
0xd4: {  	[sflag:s0] =	ssyncadd.s32 @!p0 s1  }
0xd5: {  	[bflag:$0x3] =	sbarrier.arrive $0xFFFF  }
0xd6: {  	_ =	shalt  }

</sc_bundles>
